<compile_context>
chip_gen: v7x
topology: tpu7x:2x2x1
jax: 0.10.2.dev20260603
libtpu: 0.0.44.dev20260713+nightly
codegen_flags: <defaults>
</compile_context>

<pallas_src>
import functools

import jax
import jax.numpy as jnp
from jax import lax
from jax.experimental import pallas as pl
from jax.experimental.pallas import tpu as pltpu
from jax.experimental.pallas import tpu_sc as plsc

_D = 32
_NC = 2
_NS = 16
_NW = _NC * _NS
_CHUNK = 800
_NB = 4
_NSUB = 4


@functools.lru_cache(maxsize=None)
def _gather_call(B):
    assert B % (_NW * _CHUNK) == 0
    b_per_w = B // _NW
    n = b_per_w // _CHUNK
    assert n % _NB == 0 and n >= 3 * _NB
    mesh = plsc.VectorSubcoreMesh(core_axis_name="c", subcore_axis_name="s")

    scratch = (
        [pltpu.VMEM((_CHUNK,), jnp.int32) for _ in range(_NB)]
        + [pltpu.VMEM((_CHUNK, _D), jnp.float32) for _ in range(_NB)]
        + [pltpu.SemaphoreType.DMA for _ in range(3 * _NB)]
    )

    @functools.partial(
        pl.kernel,
        mesh=mesh,
        out_type=jax.ShapeDtypeStruct((B, _D), jnp.float32),
        scratch_types=scratch,
        compiler_params=pltpu.CompilerParams(use_tc_tiling_on_sc=False),
    )
    def k(idx_hbm, table_hbm, out_hbm, *s):
        idxv = s[0:_NB]
        rows = s[_NB:2 * _NB]
        sem_i = s[2 * _NB:3 * _NB]
        sem_g = s[3 * _NB:4 * _NB]
        sem_o = s[4 * _NB:5 * _NB]

        wid = lax.axis_index("s") * _NC + lax.axis_index("c")
        base = wid * b_per_w

        def i_start(c, b):
            pltpu.make_async_copy(
                idx_hbm.at[pl.ds(base + c * _CHUNK, _CHUNK)], idxv[b], sem_i[b]
            ).start()

        def i_wait(b):
            pltpu.make_async_copy(
                idx_hbm.at[pl.ds(base, _CHUNK)], idxv[b], sem_i[b]
            ).wait()

        sub = _CHUNK // _NSUB

        def g_start(b):
            for j in range(_NSUB):
                pltpu.make_async_copy(
                    table_hbm.at[idxv[b].at[pl.ds(j * sub, sub)]],
                    rows[b].at[pl.ds(j * sub, sub)],
                    sem_g[b],
                ).start()

        def g_wait(b):
            pltpu.make_async_copy(table_hbm.at[idxv[b]], rows[b], sem_g[b]).wait()

        def w_start(c, b):
            pltpu.make_async_copy(
                rows[b], out_hbm.at[idxv[b]], sem_o[b]
            ).start()

        def w_wait(b):
            pltpu.make_async_copy(
                rows[b], out_hbm.at[idxv[b]], sem_o[b]
            ).wait()

        def step(c, b, do_wwait, do_g):
            b1 = (b + 1) % _NB
            if do_wwait:
                w_wait(b1)
            if do_g:
                g_start(b1)
            g_wait(b)
            w_start(c, b)

        for b in range(_NB):
            i_start(b, b)
        for b in range(_NB):
            i_wait(b)
        g_start(0)

        for c in range(_NB):
            step(c, c % _NB, do_wwait=(c >= 3), do_g=True)

        @pl.loop(_NB, n - _NB, step=_NB)
        def _steady(sbase):
            for b in range(_NB):
                step(sbase + b, b, do_wwait=True, do_g=True)

        for c in range(n - _NB, n):
            step(c, c % _NB, do_wwait=True, do_g=(c + 1 < n))

        for c in range(n - 3, n):
            w_wait(c % _NB)

    return k


def kernel(indices, prototypes):
    bsz, hist = indices.shape
    flat_idx = indices.reshape(bsz * hist).astype(jnp.int32)
    out = _gather_call(bsz * hist)(flat_idx, prototypes)
    return out.reshape(bsz, hist, _D)

# --- scband reference (transcript-rebuilt; emitter-appended) ---
"""Pipeline reference for scband-proto-clrmodule-8246337208610 (READ-ONLY COPY).

The authoritative reference and input builder live on the scoring server;
editing this copy changes nothing except your own understanding.
"""

import jax, jax.numpy as jnp
import numpy as np

NUM_PROTOTYPES = 1000000
EMBEDDING_DIM = 32
BATCH = 16384
HIST_LEN = 200

def setup_inputs(seed: int = 0) -> dict:
    key = jax.random.key(seed)
    k1, k2 = jax.random.split(key)
    indices = jax.random.randint(k1, (BATCH, HIST_LEN), 0, NUM_PROTOTYPES, dtype=jnp.int64 if jax.config.jax_enable_x64 else jnp.int32)
    prototypes = jax.random.normal(k2, (NUM_PROTOTYPES, EMBEDDING_DIM), dtype=jnp.float32)
    return {"indices": indices, "prototypes": prototypes}

def reference(indices, prototypes):
    # ProtoCLRModule.forward: proto_processor(prototypes[indices]) with proto_processor=Identity
    return jnp.take(prototypes, indices, axis=0)

if __name__ == "__main__":
    import jax
    _d = setup_inputs()
    print(jax.jit(kernel)(*tuple(_d.values())))

</pallas_src>

<mosaic_0001>
#map = affine_map<(d0, d1) -> (0)>
#map1 = affine_map<(d0, d1) -> (0, 0)>
module attributes {stable_mosaic.version = 14 : i64} {
  func.func @k(%arg0: i32, %arg1: i32, %arg2: memref<3276800xi32, #tpu.memory_space<hbm>>, %arg3: memref<1000000x32xf32, #tpu.memory_space<hbm>>, %arg4: memref<3276800x32xf32, #tpu.memory_space<hbm>>, %arg5: memref<800xi32, #tpu.memory_space<vmem>>, %arg6: memref<800xi32, #tpu.memory_space<vmem>>, %arg7: memref<800xi32, #tpu.memory_space<vmem>>, %arg8: memref<800xi32, #tpu.memory_space<vmem>>, %arg9: memref<800x32xf32, #tpu.memory_space<vmem>>, %arg10: memref<800x32xf32, #tpu.memory_space<vmem>>, %arg11: memref<800x32xf32, #tpu.memory_space<vmem>>, %arg12: memref<800x32xf32, #tpu.memory_space<vmem>>, %arg13: memref<!tpu.dma_semaphore, #tpu.memory_space<semaphore_mem>>, %arg14: memref<!tpu.dma_semaphore, #tpu.memory_space<semaphore_mem>>, %arg15: memref<!tpu.dma_semaphore, #tpu.memory_space<semaphore_mem>>, %arg16: memref<!tpu.dma_semaphore, #tpu.memory_space<semaphore_mem>>, %arg17: memref<!tpu.dma_semaphore, #tpu.memory_space<semaphore_mem>>, %arg18: memref<!tpu.dma_semaphore, #tpu.memory_space<semaphore_mem>>, %arg19: memref<!tpu.dma_semaphore, #tpu.memory_space<semaphore_mem>>, %arg20: memref<!tpu.dma_semaphore, #tpu.memory_space<semaphore_mem>>, %arg21: memref<!tpu.dma_semaphore, #tpu.memory_space<semaphore_mem>>, %arg22: memref<!tpu.dma_semaphore, #tpu.memory_space<semaphore_mem>>, %arg23: memref<!tpu.dma_semaphore, #tpu.memory_space<semaphore_mem>>, %arg24: memref<!tpu.dma_semaphore, #tpu.memory_space<semaphore_mem>>) attributes {dimension_semantics = [#tpu.dimension_semantics<core_parallel>, #tpu.dimension_semantics<subcore_parallel>], iteration_bounds = array<i64: 2, 16>, scalar_prefetch = 0 : i64, scratch_operands = 20 : i64, tpu.core_type = #tpu.core_type<sc_vector_subcore>, window_params = [{transform_indices = #map}, {transform_indices = #map1}, {transform_indices = #map1}]} {
    %mul3A = arith.constant 2 : i32
    %mul3A_0 = arith.muli %arg1, %mul3A : i32
    %add3A = arith.addi %mul3A_0, %arg0 : i32
    %mul3A_1 = arith.constant 102400 : i32
    %mul3A_2 = arith.muli %add3A, %mul3A_1 : i32
    %add3A_3 = arith.constant 0 : i32
    %add3A_4 = arith.addi %mul3A_2, %add3A_3 : i32
    %dma_start3A = tpu.memref_slice %arg2[%add3A_4] : memref<3276800xi32, #tpu.memory_space<hbm>> -> memref<800xi32, #tpu.memory_space<hbm>>
    %dma_start3A_5 = tpu.memref_slice %arg2[%add3A_4] : memref<3276800xi32, #tpu.memory_space<hbm>> -> memref<800xi32, #tpu.memory_space<hbm>>
    tpu.enqueue_dma source(%dma_start3A_5 : memref<800xi32, #tpu.memory_space<hbm>>) target(%arg5 : memref<800xi32, #tpu.memory_space<vmem>>) target_semaphore(%arg13 : memref<!tpu.dma_semaphore, #tpu.memory_space<semaphore_mem>>)
    %add3A_6 = arith.constant 800 : i32
    %add3A_7 = arith.addi %mul3A_2, %add3A_6 : i32
    %dma_start3A_8 = tpu.memref_slice %arg2[%add3A_7] : memref<3276800xi32, #tpu.memory_space<hbm>> -> memref<800xi32, #tpu.memory_space<hbm>>
    %dma_start3A_9 = tpu.memref_slice %arg2[%add3A_7] : memref<3276800xi32, #tpu.memory_space<hbm>> -> memref<800xi32, #tpu.memory_space<hbm>>
    tpu.enqueue_dma source(%dma_start3A_9 : memref<800xi32, #tpu.memory_space<hbm>>) target(%arg6 : memref<800xi32, #tpu.memory_space<vmem>>) target_semaphore(%arg14 : memref<!tpu.dma_semaphore, #tpu.memory_space<semaphore_mem>>)
    %add3A_10 = arith.constant 1600 : i32
    %add3A_11 = arith.addi %mul3A_2, %add3A_10 : i32
    %dma_start3A_12 = tpu.memref_slice %arg2[%add3A_11] : memref<3276800xi32, #tpu.memory_space<hbm>> -> memref<800xi32, #tpu.memory_space<hbm>>
    %dma_start3A_13 = tpu.memref_slice %arg2[%add3A_11] : memref<3276800xi32, #tpu.memory_space<hbm>> -> memref<800xi32, #tpu.memory_space<hbm>>
    tpu.enqueue_dma source(%dma_start3A_13 : memref<800xi32, #tpu.memory_space<hbm>>) target(%arg7 : memref<800xi32, #tpu.memory_space<vmem>>) target_semaphore(%arg15 : memref<!tpu.dma_semaphore, #tpu.memory_space<semaphore_mem>>)
    %add3A_14 = arith.constant 2400 : i32
    %add3A_15 = arith.addi %mul3A_2, %add3A_14 : i32
    %dma_start3A_16 = tpu.memref_slice %arg2[%add3A_15] : memref<3276800xi32, #tpu.memory_space<hbm>> -> memref<800xi32, #tpu.memory_space<hbm>>
    %dma_start3A_17 = tpu.memref_slice %arg2[%add3A_15] : memref<3276800xi32, #tpu.memory_space<hbm>> -> memref<800xi32, #tpu.memory_space<hbm>>
    tpu.enqueue_dma source(%dma_start3A_17 : memref<800xi32, #tpu.memory_space<hbm>>) target(%arg8 : memref<800xi32, #tpu.memory_space<vmem>>) target_semaphore(%arg16 : memref<!tpu.dma_semaphore, #tpu.memory_space<semaphore_mem>>)
    %dma_wait3A = tpu.memref_slice %arg2[%mul3A_2] : memref<3276800xi32, #tpu.memory_space<hbm>> -> memref<800xi32, #tpu.memory_space<hbm>>
    %dma_wait3A_18 = tpu.memref_slice %arg2[%mul3A_2] : memref<3276800xi32, #tpu.memory_space<hbm>> -> memref<800xi32, #tpu.memory_space<hbm>>
    tpu.wait_dma2 semaphore(%arg13 : memref<!tpu.dma_semaphore, #tpu.memory_space<semaphore_mem>>) src(%dma_wait3A_18 : memref<800xi32, #tpu.memory_space<hbm>>) dst(%arg5 : memref<800xi32, #tpu.memory_space<vmem>>)
    %dma_wait3A_19 = tpu.memref_slice %arg2[%mul3A_2] : memref<3276800xi32, #tpu.memory_space<hbm>> -> memref<800xi32, #tpu.memory_space<hbm>>
    %dma_wait3A_20 = tpu.memref_slice %arg2[%mul3A_2] : memref<3276800xi32, #tpu.memory_space<hbm>> -> memref<800xi32, #tpu.memory_space<hbm>>
    tpu.wait_dma2 semaphore(%arg14 : memref<!tpu.dma_semaphore, #tpu.memory_space<semaphore_mem>>) src(%dma_wait3A_20 : memref<800xi32, #tpu.memory_space<hbm>>) dst(%arg6 : memref<800xi32, #tpu.memory_space<vmem>>)
    %dma_wait3A_21 = tpu.memref_slice %arg2[%mul3A_2] : memref<3276800xi32, #tpu.memory_space<hbm>> -> memref<800xi32, #tpu.memory_space<hbm>>
    %dma_wait3A_22 = tpu.memref_slice %arg2[%mul3A_2] : memref<3276800xi32, #tpu.memory_space<hbm>> -> memref<800xi32, #tpu.memory_space<hbm>>
    tpu.wait_dma2 semaphore(%arg15 : memref<!tpu.dma_semaphore, #tpu.memory_space<semaphore_mem>>) src(%dma_wait3A_22 : memref<800xi32, #tpu.memory_space<hbm>>) dst(%arg7 : memref<800xi32, #tpu.memory_space<vmem>>)
    %dma_wait3A_23 = tpu.memref_slice %arg2[%mul3A_2] : memref<3276800xi32, #tpu.memory_space<hbm>> -> memref<800xi32, #tpu.memory_space<hbm>>
    %dma_wait3A_24 = tpu.memref_slice %arg2[%mul3A_2] : memref<3276800xi32, #tpu.memory_space<hbm>> -> memref<800xi32, #tpu.memory_space<hbm>>
    tpu.wait_dma2 semaphore(%arg16 : memref<!tpu.dma_semaphore, #tpu.memory_space<semaphore_mem>>) src(%dma_wait3A_24 : memref<800xi32, #tpu.memory_space<hbm>>) dst(%arg8 : memref<800xi32, #tpu.memory_space<vmem>>)
    %dma_start3A_25 = arith.constant 0 : i32
    %dma_start3A_26 = arith.constant 0 : i32
    %dma_start3A_27 = tpu.memref_slice %arg9[%dma_start3A_25, %dma_start3A_26] : memref<800x32xf32, #tpu.memory_space<vmem>> -> memref<200x32xf32, #tpu.memory_space<vmem>>
    %dma_start3A_28 = arith.constant 0 : i32
    %dma_start3A_29 = tpu.memref_slice %arg5[%dma_start3A_28] : memref<800xi32, #tpu.memory_space<vmem>> -> memref<200xi32, #tpu.memory_space<vmem>>
    %dma_start3A_30 = arith.constant 0 : i32
    %dma_start3A_31 = arith.constant 0 : i32
    %dma_start3A_32 = tpu.memref_slice %arg3[%dma_start3A_30, %dma_start3A_31] : memref<1000000x32xf32, #tpu.memory_space<hbm>> -> memref<1000000x32xf32, #tpu.memory_space<hbm>>
    tpu.enqueue_indirect_dma source(%dma_start3A_32 : memref<1000000x32xf32, #tpu.memory_space<hbm>>) target(%dma_start3A_27 : memref<200x32xf32, #tpu.memory_space<vmem>>) offsets(%dma_start3A_29 : memref<200xi32, #tpu.memory_space<vmem>>) semaphore(%arg17 : memref<!tpu.dma_semaphore, #tpu.memory_space<semaphore_mem>>)
    %dma_start3A_33 = arith.constant 200 : i32
    %dma_start3A_34 = arith.constant 0 : i32
    %dma_start3A_35 = tpu.memref_slice %arg9[%dma_start3A_33, %dma_start3A_34] : memref<800x32xf32, #tpu.memory_space<vmem>> -> memref<200x32xf32, #tpu.memory_space<vmem>>
    %dma_start3A_36 = arith.constant 200 : i32
    %dma_start3A_37 = tpu.memref_slice %arg5[%dma_start3A_36] : memref<800xi32, #tpu.memory_space<vmem>> -> memref<200xi32, #tpu.memory_space<vmem>>
    %dma_start3A_38 = arith.constant 0 : i32
    %dma_start3A_39 = arith.constant 0 : i32
    %dma_start3A_40 = tpu.memref_slice %arg3[%dma_start3A_38, %dma_start3A_39] : memref<1000000x32xf32, #tpu.memory_space<hbm>> -> memref<1000000x32xf32, #tpu.memory_space<hbm>>
    tpu.enqueue_indirect_dma source(%dma_start3A_40 : memref<1000000x32xf32, #tpu.memory_space<hbm>>) target(%dma_start3A_35 : memref<200x32xf32, #tpu.memory_space<vmem>>) offsets(%dma_start3A_37 : memref<200xi32, #tpu.memory_space<vmem>>) semaphore(%arg17 : memref<!tpu.dma_semaphore, #tpu.memory_space<semaphore_mem>>)
    %dma_start3A_41 = arith.constant 400 : i32
    %dma_start3A_42 = arith.constant 0 : i32
    %dma_start3A_43 = tpu.memref_slice %arg9[%dma_start3A_41, %dma_start3A_42] : memref<800x32xf32, #tpu.memory_space<vmem>> -> memref<200x32xf32, #tpu.memory_space<vmem>>
    %dma_start3A_44 = arith.constant 400 : i32
    %dma_start3A_45 = tpu.memref_slice %arg5[%dma_start3A_44] : memref<800xi32, #tpu.memory_space<vmem>> -> memref<200xi32, #tpu.memory_space<vmem>>
    %dma_start3A_46 = arith.constant 0 : i32
    %dma_start3A_47 = arith.constant 0 : i32
    %dma_start3A_48 = tpu.memref_slice %arg3[%dma_start3A_46, %dma_start3A_47] : memref<1000000x32xf32, #tpu.memory_space<hbm>> -> memref<1000000x32xf32, #tpu.memory_space<hbm>>
    tpu.enqueue_indirect_dma source(%dma_start3A_48 : memref<1000000x32xf32, #tpu.memory_space<hbm>>) target(%dma_start3A_43 : memref<200x32xf32, #tpu.memory_space<vmem>>) offsets(%dma_start3A_45 : memref<200xi32, #tpu.memory_space<vmem>>) semaphore(%arg17 : memref<!tpu.dma_semaphore, #tpu.memory_space<semaphore_mem>>)
    %dma_start3A_49 = arith.constant 600 : i32
    %dma_start3A_50 = arith.constant 0 : i32
    %dma_start3A_51 = tpu.memref_slice %arg9[%dma_start3A_49, %dma_start3A_50] : memref<800x32xf32, #tpu.memory_space<vmem>> -> memref<200x32xf32, #tpu.memory_space<vmem>>
    %dma_start3A_52 = arith.constant 600 : i32
    %dma_start3A_53 = tpu.memref_slice %arg5[%dma_start3A_52] : memref<800xi32, #tpu.memory_space<vmem>> -> memref<200xi32, #tpu.memory_space<vmem>>
    %dma_start3A_54 = arith.constant 0 : i32
    %dma_start3A_55 = arith.constant 0 : i32
    %dma_start3A_56 = tpu.memref_slice %arg3[%dma_start3A_54, %dma_start3A_55] : memref<1000000x32xf32, #tpu.memory_space<hbm>> -> memref<1000000x32xf32, #tpu.memory_space<hbm>>
    tpu.enqueue_indirect_dma source(%dma_start3A_56 : memref<1000000x32xf32, #tpu.memory_space<hbm>>) target(%dma_start3A_51 : memref<200x32xf32, #tpu.memory_space<vmem>>) offsets(%dma_start3A_53 : memref<200xi32, #tpu.memory_space<vmem>>) semaphore(%arg17 : memref<!tpu.dma_semaphore, #tpu.memory_space<semaphore_mem>>)
    %dma_start3A_57 = arith.constant 0 : i32
    %dma_start3A_58 = arith.constant 0 : i32
    %dma_start3A_59 = tpu.memref_slice %arg10[%dma_start3A_57, %dma_start3A_58] : memref<800x32xf32, #tpu.memory_space<vmem>> -> memref<200x32xf32, #tpu.memory_space<vmem>>
    %dma_start3A_60 = arith.constant 0 : i32
    %dma_start3A_61 = tpu.memref_slice %arg6[%dma_start3A_60] : memref<800xi32, #tpu.memory_space<vmem>> -> memref<200xi32, #tpu.memory_space<vmem>>
    %dma_start3A_62 = arith.constant 0 : i32
    %dma_start3A_63 = arith.constant 0 : i32
    %dma_start3A_64 = tpu.memref_slice %arg3[%dma_start3A_62, %dma_start3A_63] : memref<1000000x32xf32, #tpu.memory_space<hbm>> -> memref<1000000x32xf32, #tpu.memory_space<hbm>>
    tpu.enqueue_indirect_dma source(%dma_start3A_64 : memref<1000000x32xf32, #tpu.memory_space<hbm>>) target(%dma_start3A_59 : memref<200x32xf32, #tpu.memory_space<vmem>>) offsets(%dma_start3A_61 : memref<200xi32, #tpu.memory_space<vmem>>) semaphore(%arg18 : memref<!tpu.dma_semaphore, #tpu.memory_space<semaphore_mem>>)
    %dma_start3A_65 = arith.constant 200 : i32
    %dma_start3A_66 = arith.constant 0 : i32
    %dma_start3A_67 = tpu.memref_slice %arg10[%dma_start3A_65, %dma_start3A_66] : memref<800x32xf32, #tpu.memory_space<vmem>> -> memref<200x32xf32, #tpu.memory_space<vmem>>
    %dma_start3A_68 = arith.constant 200 : i32
    %dma_start3A_69 = tpu.memref_slice %arg6[%dma_start3A_68] : memref<800xi32, #tpu.memory_space<vmem>> -> memref<200xi32, #tpu.memory_space<vmem>>
    %dma_start3A_70 = arith.constant 0 : i32
    %dma_start3A_71 = arith.constant 0 : i32
    %dma_start3A_72 = tpu.memref_slice %arg3[%dma_start3A_70, %dma_start3A_71] : memref<1000000x32xf32, #tpu.memory_space<hbm>> -> memref<1000000x32xf32, #tpu.memory_space<hbm>>
    tpu.enqueue_indirect_dma source(%dma_start3A_72 : memref<1000000x32xf32, #tpu.memory_space<hbm>>) target(%dma_start3A_67 : memref<200x32xf32, #tpu.memory_space<vmem>>) offsets(%dma_start3A_69 : memref<200xi32, #tpu.memory_space<vmem>>) semaphore(%arg18 : memref<!tpu.dma_semaphore, #tpu.memory_space<semaphore_mem>>)
    %dma_start3A_73 = arith.constant 400 : i32
    %dma_start3A_74 = arith.constant 0 : i32
    %dma_start3A_75 = tpu.memref_slice %arg10[%dma_start3A_73, %dma_start3A_74] : memref<800x32xf32, #tpu.memory_space<vmem>> -> memref<200x32xf32, #tpu.memory_space<vmem>>
    %dma_start3A_76 = arith.constant 400 : i32
    %dma_start3A_77 = tpu.memref_slice %arg6[%dma_start3A_76] : memref<800xi32, #tpu.memory_space<vmem>> -> memref<200xi32, #tpu.memory_space<vmem>>
    %dma_start3A_78 = arith.constant 0 : i32
    %dma_start3A_79 = arith.constant 0 : i32
    %dma_start3A_80 = tpu.memref_slice %arg3[%dma_start3A_78, %dma_start3A_79] : memref<1000000x32xf32, #tpu.memory_space<hbm>> -> memref<1000000x32xf32, #tpu.memory_space<hbm>>
    tpu.enqueue_indirect_dma source(%dma_start3A_80 : memref<1000000x32xf32, #tpu.memory_space<hbm>>) target(%dma_start3A_75 : memref<200x32xf32, #tpu.memory_space<vmem>>) offsets(%dma_start3A_77 : memref<200xi32, #tpu.memory_space<vmem>>) semaphore(%arg18 : memref<!tpu.dma_semaphore, #tpu.memory_space<semaphore_mem>>)
    %dma_start3A_81 = arith.constant 600 : i32
    %dma_start3A_82 = arith.constant 0 : i32
    %dma_start3A_83 = tpu.memref_slice %arg10[%dma_start3A_81, %dma_start3A_82] : memref<800x32xf32, #tpu.memory_space<vmem>> -> memref<200x32xf32, #tpu.memory_space<vmem>>
    %dma_start3A_84 = arith.constant 600 : i32
    %dma_start3A_85 = tpu.memref_slice %arg6[%dma_start3A_84] : memref<800xi32, #tpu.memory_space<vmem>> -> memref<200xi32, #tpu.memory_space<vmem>>
    %dma_start3A_86 = arith.constant 0 : i32
    %dma_start3A_87 = arith.constant 0 : i32
    %dma_start3A_88 = tpu.memref_slice %arg3[%dma_start3A_86, %dma_start3A_87] : memref<1000000x32xf32, #tpu.memory_space<hbm>> -> memref<1000000x32xf32, #tpu.memory_space<hbm>>
    tpu.enqueue_indirect_dma source(%dma_start3A_88 : memref<1000000x32xf32, #tpu.memory_space<hbm>>) target(%dma_start3A_83 : memref<200x32xf32, #tpu.memory_space<vmem>>) offsets(%dma_start3A_85 : memref<200xi32, #tpu.memory_space<vmem>>) semaphore(%arg18 : memref<!tpu.dma_semaphore, #tpu.memory_space<semaphore_mem>>)
    %dma_wait3A_89 = arith.constant 0 : i32
    %dma_wait3A_90 = arith.constant 0 : i32
    %dma_wait3A_91 = tpu.memref_slice %arg3[%dma_wait3A_89, %dma_wait3A_90] : memref<1000000x32xf32, #tpu.memory_space<hbm>> -> memref<1000000x32xf32, #tpu.memory_space<hbm>>
    tpu.wait_indirect_dma semaphore(%arg17 : memref<!tpu.dma_semaphore, #tpu.memory_space<semaphore_mem>>) src(%dma_wait3A_91 : memref<1000000x32xf32, #tpu.memory_space<hbm>>) dst(%arg9 : memref<800x32xf32, #tpu.memory_space<vmem>>)
    %dma_start3A_92 = arith.constant 0 : i32
    %dma_start3A_93 = arith.constant 0 : i32
    %dma_start3A_94 = tpu.memref_slice %arg4[%dma_start3A_92, %dma_start3A_93] : memref<3276800x32xf32, #tpu.memory_space<hbm>> -> memref<3276800x32xf32, #tpu.memory_space<hbm>>
    tpu.enqueue_indirect_dma source(%arg9 : memref<800x32xf32, #tpu.memory_space<vmem>>) target(%dma_start3A_94 : memref<3276800x32xf32, #tpu.memory_space<hbm>>) offsets(%arg5 : memref<800xi32, #tpu.memory_space<vmem>>) semaphore(%arg21 : memref<!tpu.dma_semaphore, #tpu.memory_space<semaphore_mem>>)
    %dma_start3A_95 = arith.constant 0 : i32
    %dma_start3A_96 = arith.constant 0 : i32
    %dma_start3A_97 = tpu.memref_slice %arg11[%dma_start3A_95, %dma_start3A_96] : memref<800x32xf32, #tpu.memory_space<vmem>> -> memref<200x32xf32, #tpu.memory_space<vmem>>
    %dma_start3A_98 = arith.constant 0 : i32
    %dma_start3A_99 = tpu.memref_slice %arg7[%dma_start3A_98] : memref<800xi32, #tpu.memory_space<vmem>> -> memref<200xi32, #tpu.memory_space<vmem>>
    %dma_start3A_100 = arith.constant 0 : i32
    %dma_start3A_101 = arith.constant 0 : i32
    %dma_start3A_102 = tpu.memref_slice %arg3[%dma_start3A_100, %dma_start3A_101] : memref<1000000x32xf32, #tpu.memory_space<hbm>> -> memref<1000000x32xf32, #tpu.memory_space<hbm>>
    tpu.enqueue_indirect_dma source(%dma_start3A_102 : memref<1000000x32xf32, #tpu.memory_space<hbm>>) target(%dma_start3A_97 : memref<200x32xf32, #tpu.memory_space<vmem>>) offsets(%dma_start3A_99 : memref<200xi32, #tpu.memory_space<vmem>>) semaphore(%arg19 : memref<!tpu.dma_semaphore, #tpu.memory_space<semaphore_mem>>)
    %dma_start3A_103 = arith.constant 200 : i32
    %dma_start3A_104 = arith.constant 0 : i32
    %dma_start3A_105 = tpu.memref_slice %arg11[%dma_start3A_103, %dma_start3A_104] : memref<800x32xf32, #tpu.memory_space<vmem>> -> memref<200x32xf32, #tpu.memory_space<vmem>>
    %dma_start3A_106 = arith.constant 200 : i32
    %dma_start3A_107 = tpu.memref_slice %arg7[%dma_start3A_106] : memref<800xi32, #tpu.memory_space<vmem>> -> memref<200xi32, #tpu.memory_space<vmem>>
    %dma_start3A_108 = arith.constant 0 : i32
    %dma_start3A_109 = arith.constant 0 : i32
    %dma_start3A_110 = tpu.memref_slice %arg3[%dma_start3A_108, %dma_start3A_109] : memref<1000000x32xf32, #tpu.memory_space<hbm>> -> memref<1000000x32xf32, #tpu.memory_space<hbm>>
    tpu.enqueue_indirect_dma source(%dma_start3A_110 : memref<1000000x32xf32, #tpu.memory_space<hbm>>) target(%dma_start3A_105 : memref<200x32xf32, #tpu.memory_space<vmem>>) offsets(%dma_start3A_107 : memref<200xi32, #tpu.memory_space<vmem>>) semaphore(%arg19 : memref<!tpu.dma_semaphore, #tpu.memory_space<semaphore_mem>>)
    %dma_start3A_111 = arith.constant 400 : i32
    %dma_start3A_112 = arith.constant 0 : i32
    %dma_start3A_113 = tpu.memref_slice %arg11[%dma_start3A_111, %dma_start3A_112] : memref<800x32xf32, #tpu.memory_space<vmem>> -> memref<200x32xf32, #tpu.memory_space<vmem>>
    %dma_start3A_114 = arith.constant 400 : i32
    %dma_start3A_115 = tpu.memref_slice %arg7[%dma_start3A_114] : memref<800xi32, #tpu.memory_space<vmem>> -> memref<200xi32, #tpu.memory_space<vmem>>
    %dma_start3A_116 = arith.constant 0 : i32
    %dma_start3A_117 = arith.constant 0 : i32
    %dma_start3A_118 = tpu.memref_slice %arg3[%dma_start3A_116, %dma_start3A_117] : memref<1000000x32xf32, #tpu.memory_space<hbm>> -> memref<1000000x32xf32, #tpu.memory_space<hbm>>
    tpu.enqueue_indirect_dma source(%dma_start3A_118 : memref<1000000x32xf32, #tpu.memory_space<hbm>>) target(%dma_start3A_113 : memref<200x32xf32, #tpu.memory_space<vmem>>) offsets(%dma_start3A_115 : memref<200xi32, #tpu.memory_space<vmem>>) semaphore(%arg19 : memref<!tpu.dma_semaphore, #tpu.memory_space<semaphore_mem>>)
    %dma_start3A_119 = arith.constant 600 : i32
    %dma_start3A_120 = arith.constant 0 : i32
    %dma_start3A_121 = tpu.memref_slice %arg11[%dma_start3A_119, %dma_start3A_120] : memref<800x32xf32, #tpu.memory_space<vmem>> -> memref<200x32xf32, #tpu.memory_space<vmem>>
    %dma_start3A_122 = arith.constant 600 : i32
    %dma_start3A_123 = tpu.memref_slice %arg7[%dma_start3A_122] : memref<800xi32, #tpu.memory_space<vmem>> -> memref<200xi32, #tpu.memory_space<vmem>>
    %dma_start3A_124 = arith.constant 0 : i32
    %dma_start3A_125 = arith.constant 0 : i32
    %dma_start3A_126 = tpu.memref_slice %arg3[%dma_start3A_124, %dma_start3A_125] : memref<1000000x32xf32, #tpu.memory_space<hbm>> -> memref<1000000x32xf32, #tpu.memory_space<hbm>>
    tpu.enqueue_indirect_dma source(%dma_start3A_126 : memref<1000000x32xf32, #tpu.memory_space<hbm>>) target(%dma_start3A_121 : memref<200x32xf32, #tpu.memory_space<vmem>>) offsets(%dma_start3A_123 : memref<200xi32, #tpu.memory_space<vmem>>) semaphore(%arg19 : memref<!tpu.dma_semaphore, #tpu.memory_space<semaphore_mem>>)
    %dma_wait3A_127 = arith.constant 0 : i32
    %dma_wait3A_128 = arith.constant 0 : i32
    %dma_wait3A_129 = tpu.memref_slice %arg3[%dma_wait3A_127, %dma_wait3A_128] : memref<1000000x32xf32, #tpu.memory_space<hbm>> -> memref<1000000x32xf32, #tpu.memory_space<hbm>>
    tpu.wait_indirect_dma semaphore(%arg18 : memref<!tpu.dma_semaphore, #tpu.memory_space<semaphore_mem>>) src(%dma_wait3A_129 : memref<1000000x32xf32, #tpu.memory_space<hbm>>) dst(%arg10 : memref<800x32xf32, #tpu.memory_space<vmem>>)
    %dma_start3A_130 = arith.constant 0 : i32
    %dma_start3A_131 = arith.constant 0 : i32
    %dma_start3A_132 = tpu.memref_slice %arg4[%dma_start3A_130, %dma_start3A_131] : memref<3276800x32xf32, #tpu.memory_space<hbm>> -> memref<3276800x32xf32, #tpu.memory_space<hbm>>
    tpu.enqueue_indirect_dma source(%arg10 : memref<800x32xf32, #tpu.memory_space<vmem>>) target(%dma_start3A_132 : memref<3276800x32xf32, #tpu.memory_space<hbm>>) offsets(%arg6 : memref<800xi32, #tpu.memory_space<vmem>>) semaphore(%arg22 : memref<!tpu.dma_semaphore, #tpu.memory_space<semaphore_mem>>)
    %dma_start3A_133 = arith.constant 0 : i32
    %dma_start3A_134 = arith.constant 0 : i32
    %dma_start3A_135 = tpu.memref_slice %arg12[%dma_start3A_133, %dma_start3A_134] : memref<800x32xf32, #tpu.memory_space<vmem>> -> memref<200x32xf32, #tpu.memory_space<vmem>>
    %dma_start3A_136 = arith.constant 0 : i32
    %dma_start3A_137 = tpu.memref_slice %arg8[%dma_start3A_136] : memref<800xi32, #tpu.memory_space<vmem>> -> memref<200xi32, #tpu.memory_space<vmem>>
    %dma_start3A_138 = arith.constant 0 : i32
    %dma_start3A_139 = arith.constant 0 : i32
    %dma_start3A_140 = tpu.memref_slice %arg3[%dma_start3A_138, %dma_start3A_139] : memref<1000000x32xf32, #tpu.memory_space<hbm>> -> memref<1000000x32xf32, #tpu.memory_space<hbm>>
    tpu.enqueue_indirect_dma source(%dma_start3A_140 : memref<1000000x32xf32, #tpu.memory_space<hbm>>) target(%dma_start3A_135 : memref<200x32xf32, #tpu.memory_space<vmem>>) offsets(%dma_start3A_137 : memref<200xi32, #tpu.memory_space<vmem>>) semaphore(%arg20 : memref<!tpu.dma_semaphore, #tpu.memory_space<semaphore_mem>>)
    %dma_start3A_141 = arith.constant 200 : i32
    %dma_start3A_142 = arith.constant 0 : i32
    %dma_start3A_143 = tpu.memref_slice %arg12[%dma_start3A_141, %dma_start3A_142] : memref<800x32xf32, #tpu.memory_space<vmem>> -> memref<200x32xf32, #tpu.memory_space<vmem>>
    %dma_start3A_144 = arith.constant 200 : i32
    %dma_start3A_145 = tpu.memref_slice %arg8[%dma_start3A_144] : memref<800xi32, #tpu.memory_space<vmem>> -> memref<200xi32, #tpu.memory_space<vmem>>
    %dma_start3A_146 = arith.constant 0 : i32
    %dma_start3A_147 = arith.constant 0 : i32
    %dma_start3A_148 = tpu.memref_slice %arg3[%dma_start3A_146, %dma_start3A_147] : memref<1000000x32xf32, #tpu.memory_space<hbm>> -> memref<1000000x32xf32, #tpu.memory_space<hbm>>
    tpu.enqueue_indirect_dma source(%dma_start3A_148 : memref<1000000x32xf32, #tpu.memory_space<hbm>>) target(%dma_start3A_143 : memref<200x32xf32, #tpu.memory_space<vmem>>) offsets(%dma_start3A_145 : memref<200xi32, #tpu.memory_space<vmem>>) semaphore(%arg20 : memref<!tpu.dma_semaphore, #tpu.memory_space<semaphore_mem>>)
    %dma_start3A_149 = arith.constant 400 : i32
    %dma_start3A_150 = arith.constant 0 : i32
    %dma_start3A_151 = tpu.memref_slice %arg12[%dma_start3A_149, %dma_start3A_150] : memref<800x32xf32, #tpu.memory_space<vmem>> -> memref<200x32xf32, #tpu.memory_space<vmem>>
    %dma_start3A_152 = arith.constant 400 : i32
    %dma_start3A_153 = tpu.memref_slice %arg8[%dma_start3A_152] : memref<800xi32, #tpu.memory_space<vmem>> -> memref<200xi32, #tpu.memory_space<vmem>>
    %dma_start3A_154 = arith.constant 0 : i32
    %dma_start3A_155 = arith.constant 0 : i32
    %dma_start3A_156 = tpu.memref_slice %arg3[%dma_start3A_154, %dma_start3A_155] : memref<1000000x32xf32, #tpu.memory_space<hbm>> -> memref<1000000x32xf32, #tpu.memory_space<hbm>>
    tpu.enqueue_indirect_dma source(%dma_start3A_156 : memref<1000000x32xf32, #tpu.memory_space<hbm>>) target(%dma_start3A_151 : memref<200x32xf32, #tpu.memory_space<vmem>>) offsets(%dma_start3A_153 : memref<200xi32, #tpu.memory_space<vmem>>) semaphore(%arg20 : memref<!tpu.dma_semaphore, #tpu.memory_space<semaphore_mem>>)
    %dma_start3A_157 = arith.constant 600 : i32
    %dma_start3A_158 = arith.constant 0 : i32
    %dma_start3A_159 = tpu.memref_slice %arg12[%dma_start3A_157, %dma_start3A_158] : memref<800x32xf32, #tpu.memory_space<vmem>> -> memref<200x32xf32, #tpu.memory_space<vmem>>
    %dma_start3A_160 = arith.constant 600 : i32
    %dma_start3A_161 = tpu.memref_slice %arg8[%dma_start3A_160] : memref<800xi32, #tpu.memory_space<vmem>> -> memref<200xi32, #tpu.memory_space<vmem>>
    %dma_start3A_162 = arith.constant 0 : i32
    %dma_start3A_163 = arith.constant 0 : i32
    %dma_start3A_164 = tpu.memref_slice %arg3[%dma_start3A_162, %dma_start3A_163] : memref<1000000x32xf32, #tpu.memory_space<hbm>> -> memref<1000000x32xf32, #tpu.memory_space<hbm>>
    tpu.enqueue_indirect_dma source(%dma_start3A_164 : memref<1000000x32xf32, #tpu.memory_space<hbm>>) target(%dma_start3A_159 : memref<200x32xf32, #tpu.memory_space<vmem>>) offsets(%dma_start3A_161 : memref<200xi32, #tpu.memory_space<vmem>>) semaphore(%arg20 : memref<!tpu.dma_semaphore, #tpu.memory_space<semaphore_mem>>)
    %dma_wait3A_165 = arith.constant 0 : i32
    %dma_wait3A_166 = arith.constant 0 : i32
    %dma_wait3A_167 = tpu.memref_slice %arg3[%dma_wait3A_165, %dma_wait3A_166] : memref<1000000x32xf32, #tpu.memory_space<hbm>> -> memref<1000000x32xf32, #tpu.memory_space<hbm>>
    tpu.wait_indirect_dma semaphore(%arg19 : memref<!tpu.dma_semaphore, #tpu.memory_space<semaphore_mem>>) src(%dma_wait3A_167 : memref<1000000x32xf32, #tpu.memory_space<hbm>>) dst(%arg11 : memref<800x32xf32, #tpu.memory_space<vmem>>)
    %dma_start3A_168 = arith.constant 0 : i32
    %dma_start3A_169 = arith.constant 0 : i32
    %dma_start3A_170 = tpu.memref_slice %arg4[%dma_start3A_168, %dma_start3A_169] : memref<3276800x32xf32, #tpu.memory_space<hbm>> -> memref<3276800x32xf32, #tpu.memory_space<hbm>>
    tpu.enqueue_indirect_dma source(%arg11 : memref<800x32xf32, #tpu.memory_space<vmem>>) target(%dma_start3A_170 : memref<3276800x32xf32, #tpu.memory_space<hbm>>) offsets(%arg7 : memref<800xi32, #tpu.memory_space<vmem>>) semaphore(%arg23 : memref<!tpu.dma_semaphore, #tpu.memory_space<semaphore_mem>>)
    %dma_wait3A_171 = arith.constant 0 : i32
    %dma_wait3A_172 = arith.constant 0 : i32
    %dma_wait3A_173 = tpu.memref_slice %arg4[%dma_wait3A_171, %dma_wait3A_172] : memref<3276800x32xf32, #tpu.memory_space<hbm>> -> memref<3276800x32xf32, #tpu.memory_space<hbm>>
    tpu.wait_indirect_dma semaphore(%arg21 : memref<!tpu.dma_semaphore, #tpu.memory_space<semaphore_mem>>) src(%arg9 : memref<800x32xf32, #tpu.memory_space<vmem>>) dst(%dma_wait3A_173 : memref<3276800x32xf32, #tpu.memory_space<hbm>>)
    %dma_start3A_174 = arith.constant 0 : i32
    %dma_start3A_175 = arith.constant 0 : i32
    %dma_start3A_176 = tpu.memref_slice %arg9[%dma_start3A_174, %dma_start3A_175] : memref<800x32xf32, #tpu.memory_space<vmem>> -> memref<200x32xf32, #tpu.memory_space<vmem>>
    %dma_start3A_177 = arith.constant 0 : i32
    %dma_start3A_178 = tpu.memref_slice %arg5[%dma_start3A_177] : memref<800xi32, #tpu.memory_space<vmem>> -> memref<200xi32, #tpu.memory_space<vmem>>
    %dma_start3A_179 = arith.constant 0 : i32
    %dma_start3A_180 = arith.constant 0 : i32
    %dma_start3A_181 = tpu.memref_slice %arg3[%dma_start3A_179, %dma_start3A_180] : memref<1000000x32xf32, #tpu.memory_space<hbm>> -> memref<1000000x32xf32, #tpu.memory_space<hbm>>
    tpu.enqueue_indirect_dma source(%dma_start3A_181 : memref<1000000x32xf32, #tpu.memory_space<hbm>>) target(%dma_start3A_176 : memref<200x32xf32, #tpu.memory_space<vmem>>) offsets(%dma_start3A_178 : memref<200xi32, #tpu.memory_space<vmem>>) semaphore(%arg17 : memref<!tpu.dma_semaphore, #tpu.memory_space<semaphore_mem>>)
    %dma_start3A_182 = arith.constant 200 : i32
    %dma_start3A_183 = arith.constant 0 : i32
    %dma_start3A_184 = tpu.memref_slice %arg9[%dma_start3A_182, %dma_start3A_183] : memref<800x32xf32, #tpu.memory_space<vmem>> -> memref<200x32xf32, #tpu.memory_space<vmem>>
    %dma_start3A_185 = arith.constant 200 : i32
    %dma_start3A_186 = tpu.memref_slice %arg5[%dma_start3A_185] : memref<800xi32, #tpu.memory_space<vmem>> -> memref<200xi32, #tpu.memory_space<vmem>>
    %dma_start3A_187 = arith.constant 0 : i32
    %dma_start3A_188 = arith.constant 0 : i32
    %dma_start3A_189 = tpu.memref_slice %arg3[%dma_start3A_187, %dma_start3A_188] : memref<1000000x32xf32, #tpu.memory_space<hbm>> -> memref<1000000x32xf32, #tpu.memory_space<hbm>>
    tpu.enqueue_indirect_dma source(%dma_start3A_189 : memref<1000000x32xf32, #tpu.memory_space<hbm>>) target(%dma_start3A_184 : memref<200x32xf32, #tpu.memory_space<vmem>>) offsets(%dma_start3A_186 : memref<200xi32, #tpu.memory_space<vmem>>) semaphore(%arg17 : memref<!tpu.dma_semaphore, #tpu.memory_space<semaphore_mem>>)
    %dma_start3A_190 = arith.constant 400 : i32
    %dma_start3A_191 = arith.constant 0 : i32
    %dma_start3A_192 = tpu.memref_slice %arg9[%dma_start3A_190, %dma_start3A_191] : memref<800x32xf32, #tpu.memory_space<vmem>> -> memref<200x32xf32, #tpu.memory_space<vmem>>
    %dma_start3A_193 = arith.constant 400 : i32
    %dma_start3A_194 = tpu.memref_slice %arg5[%dma_start3A_193] : memref<800xi32, #tpu.memory_space<vmem>> -> memref<200xi32, #tpu.memory_space<vmem>>
    %dma_start3A_195 = arith.constant 0 : i32
    %dma_start3A_196 = arith.constant 0 : i32
    %dma_start3A_197 = tpu.memref_slice %arg3[%dma_start3A_195, %dma_start3A_196] : memref<1000000x32xf32, #tpu.memory_space<hbm>> -> memref<1000000x32xf32, #tpu.memory_space<hbm>>
    tpu.enqueue_indirect_dma source(%dma_start3A_197 : memref<1000000x32xf32, #tpu.memory_space<hbm>>) target(%dma_start3A_192 : memref<200x32xf32, #tpu.memory_space<vmem>>) offsets(%dma_start3A_194 : memref<200xi32, #tpu.memory_space<vmem>>) semaphore(%arg17 : memref<!tpu.dma_semaphore, #tpu.memory_space<semaphore_mem>>)
    %dma_start3A_198 = arith.constant 600 : i32
    %dma_start3A_199 = arith.constant 0 : i32
    %dma_start3A_200 = tpu.memref_slice %arg9[%dma_start3A_198, %dma_start3A_199] : memref<800x32xf32, #tpu.memory_space<vmem>> -> memref<200x32xf32, #tpu.memory_space<vmem>>
    %dma_start3A_201 = arith.constant 600 : i32
    %dma_start3A_202 = tpu.memref_slice %arg5[%dma_start3A_201] : memref<800xi32, #tpu.memory_space<vmem>> -> memref<200xi32, #tpu.memory_space<vmem>>
    %dma_start3A_203 = arith.constant 0 : i32
    %dma_start3A_204 = arith.constant 0 : i32
    %dma_start3A_205 = tpu.memref_slice %arg3[%dma_start3A_203, %dma_start3A_204] : memref<1000000x32xf32, #tpu.memory_space<hbm>> -> memref<1000000x32xf32, #tpu.memory_space<hbm>>
    tpu.enqueue_indirect_dma source(%dma_start3A_205 : memref<1000000x32xf32, #tpu.memory_space<hbm>>) target(%dma_start3A_200 : memref<200x32xf32, #tpu.memory_space<vmem>>) offsets(%dma_start3A_202 : memref<200xi32, #tpu.memory_space<vmem>>) semaphore(%arg17 : memref<!tpu.dma_semaphore, #tpu.memory_space<semaphore_mem>>)
    %dma_wait3A_206 = arith.constant 0 : i32
    %dma_wait3A_207 = arith.constant 0 : i32
    %dma_wait3A_208 = tpu.memref_slice %arg3[%dma_wait3A_206, %dma_wait3A_207] : memref<1000000x32xf32, #tpu.memory_space<hbm>> -> memref<1000000x32xf32, #tpu.memory_space<hbm>>
    tpu.wait_indirect_dma semaphore(%arg20 : memref<!tpu.dma_semaphore, #tpu.memory_space<semaphore_mem>>) src(%dma_wait3A_208 : memref<1000000x32xf32, #tpu.memory_space<hbm>>) dst(%arg12 : memref<800x32xf32, #tpu.memory_space<vmem>>)
    %dma_start3A_209 = arith.constant 0 : i32
    %dma_start3A_210 = arith.constant 0 : i32
    %dma_start3A_211 = tpu.memref_slice %arg4[%dma_start3A_209, %dma_start3A_210] : memref<3276800x32xf32, #tpu.memory_space<hbm>> -> memref<3276800x32xf32, #tpu.memory_space<hbm>>
    tpu.enqueue_indirect_dma source(%arg12 : memref<800x32xf32, #tpu.memory_space<vmem>>) target(%dma_start3A_211 : memref<3276800x32xf32, #tpu.memory_space<hbm>>) offsets(%arg8 : memref<800xi32, #tpu.memory_space<vmem>>) semaphore(%arg24 : memref<!tpu.dma_semaphore, #tpu.memory_space<semaphore_mem>>)
    %scan3A = arith.constant 0 : i32
    %scan3A_212 = arith.constant 30 : i32
    %scan3A_213 = arith.addi %scan3A, %scan3A_212 : i32
    %scan3A_214 = arith.constant 1 : i32
    scf.for %scan3A_357 = %scan3A to %scan3A_213 step %scan3A_214  : i32 {
      %mul3A_358 = arith.constant 4 : i32
      %mul3A_359 = arith.muli %scan3A_357, %mul3A_358 : i32
      %add3A_360 = arith.constant 4 : i32
      %add3A_361 = arith.addi %add3A_360, %mul3A_359 : i32
      %add3A_362 = arith.constant 0 : i32
      %add3A_363 = arith.addi %add3A_361, %add3A_362 : i32
      %dma_wait3A_364 = arith.constant 0 : i32
      %dma_wait3A_365 = arith.constant 0 : i32
      %dma_wait3A_366 = tpu.memref_slice %arg4[%dma_wait3A_364, %dma_wait3A_365] : memref<3276800x32xf32, #tpu.memory_space<hbm>> -> memref<3276800x32xf32, #tpu.memory_space<hbm>>
      tpu.wait_indirect_dma semaphore(%arg22 : memref<!tpu.dma_semaphore, #tpu.memory_space<semaphore_mem>>) src(%arg10 : memref<800x32xf32, #tpu.memory_space<vmem>>) dst(%dma_wait3A_366 : memref<3276800x32xf32, #tpu.memory_space<hbm>>)
      %dma_start3A_367 = arith.constant 0 : i32
      %dma_start3A_368 = arith.constant 0 : i32
      %dma_start3A_369 = tpu.memref_slice %arg10[%dma_start3A_367, %dma_start3A_368] : memref<800x32xf32, #tpu.memory_space<vmem>> -> memref<200x32xf32, #tpu.memory_space<vmem>>
      %dma_start3A_370 = arith.constant 0 : i32
      %dma_start3A_371 = tpu.memref_slice %arg6[%dma_start3A_370] : memref<800xi32, #tpu.memory_space<vmem>> -> memref<200xi32, #tpu.memory_space<vmem>>
      %dma_start3A_372 = arith.constant 0 : i32
      %dma_start3A_373 = arith.constant 0 : i32
      %dma_start3A_374 = tpu.memref_slice %arg3[%dma_start3A_372, %dma_start3A_373] : memref<1000000x32xf32, #tpu.memory_space<hbm>> -> memref<1000000x32xf32, #tpu.memory_space<hbm>>
      tpu.enqueue_indirect_dma source(%dma_start3A_374 : memref<1000000x32xf32, #tpu.memory_space<hbm>>) target(%dma_start3A_369 : memref<200x32xf32, #tpu.memory_space<vmem>>) offsets(%dma_start3A_371 : memref<200xi32, #tpu.memory_space<vmem>>) semaphore(%arg18 : memref<!tpu.dma_semaphore, #tpu.memory_space<semaphore_mem>>)
      %dma_start3A_375 = arith.constant 200 : i32
      %dma_start3A_376 = arith.constant 0 : i32
      %dma_start3A_377 = tpu.memref_slice %arg10[%dma_start3A_375, %dma_start3A_376] : memref<800x32xf32, #tpu.memory_space<vmem>> -> memref<200x32xf32, #tpu.memory_space<vmem>>
      %dma_start3A_378 = arith.constant 200 : i32
      %dma_start3A_379 = tpu.memref_slice %arg6[%dma_start3A_378] : memref<800xi32, #tpu.memory_space<vmem>> -> memref<200xi32, #tpu.memory_space<vmem>>
      %dma_start3A_380 = arith.constant 0 : i32
      %dma_start3A_381 = arith.constant 0 : i32
      %dma_start3A_382 = tpu.memref_slice %arg3[%dma_start3A_380, %dma_start3A_381] : memref<1000000x32xf32, #tpu.memory_space<hbm>> -> memref<1000000x32xf32, #tpu.memory_space<hbm>>
      tpu.enqueue_indirect_dma source(%dma_start3A_382 : memref<1000000x32xf32, #tpu.memory_space<hbm>>) target(%dma_start3A_377 : memref<200x32xf32, #tpu.memory_space<vmem>>) offsets(%dma_start3A_379 : memref<200xi32, #tpu.memory_space<vmem>>) semaphore(%arg18 : memref<!tpu.dma_semaphore, #tpu.memory_space<semaphore_mem>>)
      %dma_start3A_383 = arith.constant 400 : i32
      %dma_start3A_384 = arith.constant 0 : i32
      %dma_start3A_385 = tpu.memref_slice %arg10[%dma_start3A_383, %dma_start3A_384] : memref<800x32xf32, #tpu.memory_space<vmem>> -> memref<200x32xf32, #tpu.memory_space<vmem>>
      %dma_start3A_386 = arith.constant 400 : i32
      %dma_start3A_387 = tpu.memref_slice %arg6[%dma_start3A_386] : memref<800xi32, #tpu.memory_space<vmem>> -> memref<200xi32, #tpu.memory_space<vmem>>
      %dma_start3A_388 = arith.constant 0 : i32
      %dma_start3A_389 = arith.constant 0 : i32
      %dma_start3A_390 = tpu.memref_slice %arg3[%dma_start3A_388, %dma_start3A_389] : memref<1000000x32xf32, #tpu.memory_space<hbm>> -> memref<1000000x32xf32, #tpu.memory_space<hbm>>
      tpu.enqueue_indirect_dma source(%dma_start3A_390 : memref<1000000x32xf32, #tpu.memory_space<hbm>>) target(%dma_start3A_385 : memref<200x32xf32, #tpu.memory_space<vmem>>) offsets(%dma_start3A_387 : memref<200xi32, #tpu.memory_space<vmem>>) semaphore(%arg18 : memref<!tpu.dma_semaphore, #tpu.memory_space<semaphore_mem>>)
      %dma_start3A_391 = arith.constant 600 : i32
      %dma_start3A_392 = arith.constant 0 : i32
      %dma_start3A_393 = tpu.memref_slice %arg10[%dma_start3A_391, %dma_start3A_392] : memref<800x32xf32, #tpu.memory_space<vmem>> -> memref<200x32xf32, #tpu.memory_space<vmem>>
      %dma_start3A_394 = arith.constant 600 : i32
      %dma_start3A_395 = tpu.memref_slice %arg6[%dma_start3A_394] : memref<800xi32, #tpu.memory_space<vmem>> -> memref<200xi32, #tpu.memory_space<vmem>>
      %dma_start3A_396 = arith.constant 0 : i32
      %dma_start3A_397 = arith.constant 0 : i32
      %dma_start3A_398 = tpu.memref_slice %arg3[%dma_start3A_396, %dma_start3A_397] : memref<1000000x32xf32, #tpu.memory_space<hbm>> -> memref<1000000x32xf32, #tpu.memory_space<hbm>>
      tpu.enqueue_indirect_dma source(%dma_start3A_398 : memref<1000000x32xf32, #tpu.memory_space<hbm>>) target(%dma_start3A_393 : memref<200x32xf32, #tpu.memory_space<vmem>>) offsets(%dma_start3A_395 : memref<200xi32, #tpu.memory_space<vmem>>) semaphore(%arg18 : memref<!tpu.dma_semaphore, #tpu.memory_space<semaphore_mem>>)
      %dma_wait3A_399 = arith.constant 0 : i32
      %dma_wait3A_400 = arith.constant 0 : i32
      %dma_wait3A_401 = tpu.memref_slice %arg3[%dma_wait3A_399, %dma_wait3A_400] : memref<1000000x32xf32, #tpu.memory_space<hbm>> -> memref<1000000x32xf32, #tpu.memory_space<hbm>>
      tpu.wait_indirect_dma semaphore(%arg17 : memref<!tpu.dma_semaphore, #tpu.memory_space<semaphore_mem>>) src(%dma_wait3A_401 : memref<1000000x32xf32, #tpu.memory_space<hbm>>) dst(%arg9 : memref<800x32xf32, #tpu.memory_space<vmem>>)
      %dma_start3A_402 = arith.constant 0 : i32
      %dma_start3A_403 = arith.constant 0 : i32
      %dma_start3A_404 = tpu.memref_slice %arg4[%dma_start3A_402, %dma_start3A_403] : memref<3276800x32xf32, #tpu.memory_space<hbm>> -> memref<3276800x32xf32, #tpu.memory_space<hbm>>
      tpu.enqueue_indirect_dma source(%arg9 : memref<800x32xf32, #tpu.memory_space<vmem>>) target(%dma_start3A_404 : memref<3276800x32xf32, #tpu.memory_space<hbm>>) offsets(%arg5 : memref<800xi32, #tpu.memory_space<vmem>>) semaphore(%arg21 : memref<!tpu.dma_semaphore, #tpu.memory_space<semaphore_mem>>)
      %add3A_405 = arith.constant 1 : i32
      %add3A_406 = arith.addi %add3A_361, %add3A_405 : i32
      %dma_wait3A_407 = arith.constant 0 : i32
      %dma_wait3A_408 = arith.constant 0 : i32
      %dma_wait3A_409 = tpu.memref_slice %arg4[%dma_wait3A_407, %dma_wait3A_408] : memref<3276800x32xf32, #tpu.memory_space<hbm>> -> memref<3276800x32xf32, #tpu.memory_space<hbm>>
      tpu.wait_indirect_dma semaphore(%arg23 : memref<!tpu.dma_semaphore, #tpu.memory_space<semaphore_mem>>) src(%arg11 : memref<800x32xf32, #tpu.memory_space<vmem>>) dst(%dma_wait3A_409 : memref<3276800x32xf32, #tpu.memory_space<hbm>>)
      %dma_start3A_410 = arith.constant 0 : i32
      %dma_start3A_411 = arith.constant 0 : i32
      %dma_start3A_412 = tpu.memref_slice %arg11[%dma_start3A_410, %dma_start3A_411] : memref<800x32xf32, #tpu.memory_space<vmem>> -> memref<200x32xf32, #tpu.memory_space<vmem>>
      %dma_start3A_413 = arith.constant 0 : i32
      %dma_start3A_414 = tpu.memref_slice %arg7[%dma_start3A_413] : memref<800xi32, #tpu.memory_space<vmem>> -> memref<200xi32, #tpu.memory_space<vmem>>
      %dma_start3A_415 = arith.constant 0 : i32
      %dma_start3A_416 = arith.constant 0 : i32
      %dma_start3A_417 = tpu.memref_slice %arg3[%dma_start3A_415, %dma_start3A_416] : memref<1000000x32xf32, #tpu.memory_space<hbm>> -> memref<1000000x32xf32, #tpu.memory_space<hbm>>
      tpu.enqueue_indirect_dma source(%dma_start3A_417 : memref<1000000x32xf32, #tpu.memory_space<hbm>>) target(%dma_start3A_412 : memref<200x32xf32, #tpu.memory_space<vmem>>) offsets(%dma_start3A_414 : memref<200xi32, #tpu.memory_space<vmem>>) semaphore(%arg19 : memref<!tpu.dma_semaphore, #tpu.memory_space<semaphore_mem>>)
      %dma_start3A_418 = arith.constant 200 : i32
      %dma_start3A_419 = arith.constant 0 : i32
      %dma_start3A_420 = tpu.memref_slice %arg11[%dma_start3A_418, %dma_start3A_419] : memref<800x32xf32, #tpu.memory_space<vmem>> -> memref<200x32xf32, #tpu.memory_space<vmem>>
      %dma_start3A_421 = arith.constant 200 : i32
      %dma_start3A_422 = tpu.memref_slice %arg7[%dma_start3A_421] : memref<800xi32, #tpu.memory_space<vmem>> -> memref<200xi32, #tpu.memory_space<vmem>>
      %dma_start3A_423 = arith.constant 0 : i32
      %dma_start3A_424 = arith.constant 0 : i32
      %dma_start3A_425 = tpu.memref_slice %arg3[%dma_start3A_423, %dma_start3A_424] : memref<1000000x32xf32, #tpu.memory_space<hbm>> -> memref<1000000x32xf32, #tpu.memory_space<hbm>>
      tpu.enqueue_indirect_dma source(%dma_start3A_425 : memref<1000000x32xf32, #tpu.memory_space<hbm>>) target(%dma_start3A_420 : memref<200x32xf32, #tpu.memory_space<vmem>>) offsets(%dma_start3A_422 : memref<200xi32, #tpu.memory_space<vmem>>) semaphore(%arg19 : memref<!tpu.dma_semaphore, #tpu.memory_space<semaphore_mem>>)
      %dma_start3A_426 = arith.constant 400 : i32
      %dma_start3A_427 = arith.constant 0 : i32
      %dma_start3A_428 = tpu.memref_slice %arg11[%dma_start3A_426, %dma_start3A_427] : memref<800x32xf32, #tpu.memory_space<vmem>> -> memref<200x32xf32, #tpu.memory_space<vmem>>
      %dma_start3A_429 = arith.constant 400 : i32
      %dma_start3A_430 = tpu.memref_slice %arg7[%dma_start3A_429] : memref<800xi32, #tpu.memory_space<vmem>> -> memref<200xi32, #tpu.memory_space<vmem>>
      %dma_start3A_431 = arith.constant 0 : i32
      %dma_start3A_432 = arith.constant 0 : i32
      %dma_start3A_433 = tpu.memref_slice %arg3[%dma_start3A_431, %dma_start3A_432] : memref<1000000x32xf32, #tpu.memory_space<hbm>> -> memref<1000000x32xf32, #tpu.memory_space<hbm>>
      tpu.enqueue_indirect_dma source(%dma_start3A_433 : memref<1000000x32xf32, #tpu.memory_space<hbm>>) target(%dma_start3A_428 : memref<200x32xf32, #tpu.memory_space<vmem>>) offsets(%dma_start3A_430 : memref<200xi32, #tpu.memory_space<vmem>>) semaphore(%arg19 : memref<!tpu.dma_semaphore, #tpu.memory_space<semaphore_mem>>)
      %dma_start3A_434 = arith.constant 600 : i32
      %dma_start3A_435 = arith.constant 0 : i32
      %dma_start3A_436 = tpu.memref_slice %arg11[%dma_start3A_434, %dma_start3A_435] : memref<800x32xf32, #tpu.memory_space<vmem>> -> memref<200x32xf32, #tpu.memory_space<vmem>>
      %dma_start3A_437 = arith.constant 600 : i32
      %dma_start3A_438 = tpu.memref_slice %arg7[%dma_start3A_437] : memref<800xi32, #tpu.memory_space<vmem>> -> memref<200xi32, #tpu.memory_space<vmem>>
      %dma_start3A_439 = arith.constant 0 : i32
      %dma_start3A_440 = arith.constant 0 : i32
      %dma_start3A_441 = tpu.memref_slice %arg3[%dma_start3A_439, %dma_start3A_440] : memref<1000000x32xf32, #tpu.memory_space<hbm>> -> memref<1000000x32xf32, #tpu.memory_space<hbm>>
      tpu.enqueue_indirect_dma source(%dma_start3A_441 : memref<1000000x32xf32, #tpu.memory_space<hbm>>) target(%dma_start3A_436 : memref<200x32xf32, #tpu.memory_space<vmem>>) offsets(%dma_start3A_438 : memref<200xi32, #tpu.memory_space<vmem>>) semaphore(%arg19 : memref<!tpu.dma_semaphore, #tpu.memory_space<semaphore_mem>>)
      %dma_wait3A_442 = arith.constant 0 : i32
      %dma_wait3A_443 = arith.constant 0 : i32
      %dma_wait3A_444 = tpu.memref_slice %arg3[%dma_wait3A_442, %dma_wait3A_443] : memref<1000000x32xf32, #tpu.memory_space<hbm>> -> memref<1000000x32xf32, #tpu.memory_space<hbm>>
      tpu.wait_indirect_dma semaphore(%arg18 : memref<!tpu.dma_semaphore, #tpu.memory_space<semaphore_mem>>) src(%dma_wait3A_444 : memref<1000000x32xf32, #tpu.memory_space<hbm>>) dst(%arg10 : memref<800x32xf32, #tpu.memory_space<vmem>>)
      %dma_start3A_445 = arith.constant 0 : i32
      %dma_start3A_446 = arith.constant 0 : i32
      %dma_start3A_447 = tpu.memref_slice %arg4[%dma_start3A_445, %dma_start3A_446] : memref<3276800x32xf32, #tpu.memory_space<hbm>> -> memref<3276800x32xf32, #tpu.memory_space<hbm>>
      tpu.enqueue_indirect_dma source(%arg10 : memref<800x32xf32, #tpu.memory_space<vmem>>) target(%dma_start3A_447 : memref<3276800x32xf32, #tpu.memory_space<hbm>>) offsets(%arg6 : memref<800xi32, #tpu.memory_space<vmem>>) semaphore(%arg22 : memref<!tpu.dma_semaphore, #tpu.memory_space<semaphore_mem>>)
      %add3A_448 = arith.constant 2 : i32
      %add3A_449 = arith.addi %add3A_361, %add3A_448 : i32
      %dma_wait3A_450 = arith.constant 0 : i32
      %dma_wait3A_451 = arith.constant 0 : i32
      %dma_wait3A_452 = tpu.memref_slice %arg4[%dma_wait3A_450, %dma_wait3A_451] : memref<3276800x32xf32, #tpu.memory_space<hbm>> -> memref<3276800x32xf32, #tpu.memory_space<hbm>>
      tpu.wait_indirect_dma semaphore(%arg24 : memref<!tpu.dma_semaphore, #tpu.memory_space<semaphore_mem>>) src(%arg12 : memref<800x32xf32, #tpu.memory_space<vmem>>) dst(%dma_wait3A_452 : memref<3276800x32xf32, #tpu.memory_space<hbm>>)
      %dma_start3A_453 = arith.constant 0 : i32
      %dma_start3A_454 = arith.constant 0 : i32
      %dma_start3A_455 = tpu.memref_slice %arg12[%dma_start3A_453, %dma_start3A_454] : memref<800x32xf32, #tpu.memory_space<vmem>> -> memref<200x32xf32, #tpu.memory_space<vmem>>
      %dma_start3A_456 = arith.constant 0 : i32
      %dma_start3A_457 = tpu.memref_slice %arg8[%dma_start3A_456] : memref<800xi32, #tpu.memory_space<vmem>> -> memref<200xi32, #tpu.memory_space<vmem>>
      %dma_start3A_458 = arith.constant 0 : i32
      %dma_start3A_459 = arith.constant 0 : i32
      %dma_start3A_460 = tpu.memref_slice %arg3[%dma_start3A_458, %dma_start3A_459] : memref<1000000x32xf32, #tpu.memory_space<hbm>> -> memref<1000000x32xf32, #tpu.memory_space<hbm>>
      tpu.enqueue_indirect_dma source(%dma_start3A_460 : memref<1000000x32xf32, #tpu.memory_space<hbm>>) target(%dma_start3A_455 : memref<200x32xf32, #tpu.memory_space<vmem>>) offsets(%dma_start3A_457 : memref<200xi32, #tpu.memory_space<vmem>>) semaphore(%arg20 : memref<!tpu.dma_semaphore, #tpu.memory_space<semaphore_mem>>)
      %dma_start3A_461 = arith.constant 200 : i32
      %dma_start3A_462 = arith.constant 0 : i32
      %dma_start3A_463 = tpu.memref_slice %arg12[%dma_start3A_461, %dma_start3A_462] : memref<800x32xf32, #tpu.memory_space<vmem>> -> memref<200x32xf32, #tpu.memory_space<vmem>>
      %dma_start3A_464 = arith.constant 200 : i32
      %dma_start3A_465 = tpu.memref_slice %arg8[%dma_start3A_464] : memref<800xi32, #tpu.memory_space<vmem>> -> memref<200xi32, #tpu.memory_space<vmem>>
      %dma_start3A_466 = arith.constant 0 : i32
      %dma_start3A_467 = arith.constant 0 : i32
      %dma_start3A_468 = tpu.memref_slice %arg3[%dma_start3A_466, %dma_start3A_467] : memref<1000000x32xf32, #tpu.memory_space<hbm>> -> memref<1000000x32xf32, #tpu.memory_space<hbm>>
      tpu.enqueue_indirect_dma source(%dma_start3A_468 : memref<1000000x32xf32, #tpu.memory_space<hbm>>) target(%dma_start3A_463 : memref<200x32xf32, #tpu.memory_space<vmem>>) offsets(%dma_start3A_465 : memref<200xi32, #tpu.memory_space<vmem>>) semaphore(%arg20 : memref<!tpu.dma_semaphore, #tpu.memory_space<semaphore_mem>>)
      %dma_start3A_469 = arith.constant 400 : i32
      %dma_start3A_470 = arith.constant 0 : i32
      %dma_start3A_471 = tpu.memref_slice %arg12[%dma_start3A_469, %dma_start3A_470] : memref<800x32xf32, #tpu.memory_space<vmem>> -> memref<200x32xf32, #tpu.memory_space<vmem>>
      %dma_start3A_472 = arith.constant 400 : i32
      %dma_start3A_473 = tpu.memref_slice %arg8[%dma_start3A_472] : memref<800xi32, #tpu.memory_space<vmem>> -> memref<200xi32, #tpu.memory_space<vmem>>
      %dma_start3A_474 = arith.constant 0 : i32
      %dma_start3A_475 = arith.constant 0 : i32
      %dma_start3A_476 = tpu.memref_slice %arg3[%dma_start3A_474, %dma_start3A_475] : memref<1000000x32xf32, #tpu.memory_space<hbm>> -> memref<1000000x32xf32, #tpu.memory_space<hbm>>
      tpu.enqueue_indirect_dma source(%dma_start3A_476 : memref<1000000x32xf32, #tpu.memory_space<hbm>>) target(%dma_start3A_471 : memref<200x32xf32, #tpu.memory_space<vmem>>) offsets(%dma_start3A_473 : memref<200xi32, #tpu.memory_space<vmem>>) semaphore(%arg20 : memref<!tpu.dma_semaphore, #tpu.memory_space<semaphore_mem>>)
      %dma_start3A_477 = arith.constant 600 : i32
      %dma_start3A_478 = arith.constant 0 : i32
      %dma_start3A_479 = tpu.memref_slice %arg12[%dma_start3A_477, %dma_start3A_478] : memref<800x32xf32, #tpu.memory_space<vmem>> -> memref<200x32xf32, #tpu.memory_space<vmem>>
      %dma_start3A_480 = arith.constant 600 : i32
      %dma_start3A_481 = tpu.memref_slice %arg8[%dma_start3A_480] : memref<800xi32, #tpu.memory_space<vmem>> -> memref<200xi32, #tpu.memory_space<vmem>>
      %dma_start3A_482 = arith.constant 0 : i32
      %dma_start3A_483 = arith.constant 0 : i32
      %dma_start3A_484 = tpu.memref_slice %arg3[%dma_start3A_482, %dma_start3A_483] : memref<1000000x32xf32, #tpu.memory_space<hbm>> -> memref<1000000x32xf32, #tpu.memory_space<hbm>>
      tpu.enqueue_indirect_dma source(%dma_start3A_484 : memref<1000000x32xf32, #tpu.memory_space<hbm>>) target(%dma_start3A_479 : memref<200x32xf32, #tpu.memory_space<vmem>>) offsets(%dma_start3A_481 : memref<200xi32, #tpu.memory_space<vmem>>) semaphore(%arg20 : memref<!tpu.dma_semaphore, #tpu.memory_space<semaphore_mem>>)
      %dma_wait3A_485 = arith.constant 0 : i32
      %dma_wait3A_486 = arith.constant 0 : i32
      %dma_wait3A_487 = tpu.memref_slice %arg3[%dma_wait3A_485, %dma_wait3A_486] : memref<1000000x32xf32, #tpu.memory_space<hbm>> -> memref<1000000x32xf32, #tpu.memory_space<hbm>>
      tpu.wait_indirect_dma semaphore(%arg19 : memref<!tpu.dma_semaphore, #tpu.memory_space<semaphore_mem>>) src(%dma_wait3A_487 : memref<1000000x32xf32, #tpu.memory_space<hbm>>) dst(%arg11 : memref<800x32xf32, #tpu.memory_space<vmem>>)
      %dma_start3A_488 = arith.constant 0 : i32
      %dma_start3A_489 = arith.constant 0 : i32
      %dma_start3A_490 = tpu.memref_slice %arg4[%dma_start3A_488, %dma_start3A_489] : memref<3276800x32xf32, #tpu.memory_space<hbm>> -> memref<3276800x32xf32, #tpu.memory_space<hbm>>
      tpu.enqueue_indirect_dma source(%arg11 : memref<800x32xf32, #tpu.memory_space<vmem>>) target(%dma_start3A_490 : memref<3276800x32xf32, #tpu.memory_space<hbm>>) offsets(%arg7 : memref<800xi32, #tpu.memory_space<vmem>>) semaphore(%arg23 : memref<!tpu.dma_semaphore, #tpu.memory_space<semaphore_mem>>)
      %add3A_491 = arith.constant 3 : i32
      %add3A_492 = arith.addi %add3A_361, %add3A_491 : i32
      %dma_wait3A_493 = arith.constant 0 : i32
      %dma_wait3A_494 = arith.constant 0 : i32
      %dma_wait3A_495 = tpu.memref_slice %arg4[%dma_wait3A_493, %dma_wait3A_494] : memref<3276800x32xf32, #tpu.memory_space<hbm>> -> memref<3276800x32xf32, #tpu.memory_space<hbm>>
      tpu.wait_indirect_dma semaphore(%arg21 : memref<!tpu.dma_semaphore, #tpu.memory_space<semaphore_mem>>) src(%arg9 : memref<800x32xf32, #tpu.memory_space<vmem>>) dst(%dma_wait3A_495 : memref<3276800x32xf32, #tpu.memory_space<hbm>>)
      %dma_start3A_496 = arith.constant 0 : i32
      %dma_start3A_497 = arith.constant 0 : i32
      %dma_start3A_498 = tpu.memref_slice %arg9[%dma_start3A_496, %dma_start3A_497] : memref<800x32xf32, #tpu.memory_space<vmem>> -> memref<200x32xf32, #tpu.memory_space<vmem>>
      %dma_start3A_499 = arith.constant 0 : i32
      %dma_start3A_500 = tpu.memref_slice %arg5[%dma_start3A_499] : memref<800xi32, #tpu.memory_space<vmem>> -> memref<200xi32, #tpu.memory_space<vmem>>
      %dma_start3A_501 = arith.constant 0 : i32
      %dma_start3A_502 = arith.constant 0 : i32
      %dma_start3A_503 = tpu.memref_slice %arg3[%dma_start3A_501, %dma_start3A_502] : memref<1000000x32xf32, #tpu.memory_space<hbm>> -> memref<1000000x32xf32, #tpu.memory_space<hbm>>
      tpu.enqueue_indirect_dma source(%dma_start3A_503 : memref<1000000x32xf32, #tpu.memory_space<hbm>>) target(%dma_start3A_498 : memref<200x32xf32, #tpu.memory_space<vmem>>) offsets(%dma_start3A_500 : memref<200xi32, #tpu.memory_space<vmem>>) semaphore(%arg17 : memref<!tpu.dma_semaphore, #tpu.memory_space<semaphore_mem>>)
      %dma_start3A_504 = arith.constant 200 : i32
      %dma_start3A_505 = arith.constant 0 : i32
      %dma_start3A_506 = tpu.memref_slice %arg9[%dma_start3A_504, %dma_start3A_505] : memref<800x32xf32, #tpu.memory_space<vmem>> -> memref<200x32xf32, #tpu.memory_space<vmem>>
      %dma_start3A_507 = arith.constant 200 : i32
      %dma_start3A_508 = tpu.memref_slice %arg5[%dma_start3A_507] : memref<800xi32, #tpu.memory_space<vmem>> -> memref<200xi32, #tpu.memory_space<vmem>>
      %dma_start3A_509 = arith.constant 0 : i32
      %dma_start3A_510 = arith.constant 0 : i32
      %dma_start3A_511 = tpu.memref_slice %arg3[%dma_start3A_509, %dma_start3A_510] : memref<1000000x32xf32, #tpu.memory_space<hbm>> -> memref<1000000x32xf32, #tpu.memory_space<hbm>>
      tpu.enqueue_indirect_dma source(%dma_start3A_511 : memref<1000000x32xf32, #tpu.memory_space<hbm>>) target(%dma_start3A_506 : memref<200x32xf32, #tpu.memory_space<vmem>>) offsets(%dma_start3A_508 : memref<200xi32, #tpu.memory_space<vmem>>) semaphore(%arg17 : memref<!tpu.dma_semaphore, #tpu.memory_space<semaphore_mem>>)
      %dma_start3A_512 = arith.constant 400 : i32
      %dma_start3A_513 = arith.constant 0 : i32
      %dma_start3A_514 = tpu.memref_slice %arg9[%dma_start3A_512, %dma_start3A_513] : memref<800x32xf32, #tpu.memory_space<vmem>> -> memref<200x32xf32, #tpu.memory_space<vmem>>
      %dma_start3A_515 = arith.constant 400 : i32
      %dma_start3A_516 = tpu.memref_slice %arg5[%dma_start3A_515] : memref<800xi32, #tpu.memory_space<vmem>> -> memref<200xi32, #tpu.memory_space<vmem>>
      %dma_start3A_517 = arith.constant 0 : i32
      %dma_start3A_518 = arith.constant 0 : i32
      %dma_start3A_519 = tpu.memref_slice %arg3[%dma_start3A_517, %dma_start3A_518] : memref<1000000x32xf32, #tpu.memory_space<hbm>> -> memref<1000000x32xf32, #tpu.memory_space<hbm>>
      tpu.enqueue_indirect_dma source(%dma_start3A_519 : memref<1000000x32xf32, #tpu.memory_space<hbm>>) target(%dma_start3A_514 : memref<200x32xf32, #tpu.memory_space<vmem>>) offsets(%dma_start3A_516 : memref<200xi32, #tpu.memory_space<vmem>>) semaphore(%arg17 : memref<!tpu.dma_semaphore, #tpu.memory_space<semaphore_mem>>)
      %dma_start3A_520 = arith.constant 600 : i32
      %dma_start3A_521 = arith.constant 0 : i32
      %dma_start3A_522 = tpu.memref_slice %arg9[%dma_start3A_520, %dma_start3A_521] : memref<800x32xf32, #tpu.memory_space<vmem>> -> memref<200x32xf32, #tpu.memory_space<vmem>>
      %dma_start3A_523 = arith.constant 600 : i32
      %dma_start3A_524 = tpu.memref_slice %arg5[%dma_start3A_523] : memref<800xi32, #tpu.memory_space<vmem>> -> memref<200xi32, #tpu.memory_space<vmem>>
      %dma_start3A_525 = arith.constant 0 : i32
      %dma_start3A_526 = arith.constant 0 : i32
      %dma_start3A_527 = tpu.memref_slice %arg3[%dma_start3A_525, %dma_start3A_526] : memref<1000000x32xf32, #tpu.memory_space<hbm>> -> memref<1000000x32xf32, #tpu.memory_space<hbm>>
      tpu.enqueue_indirect_dma source(%dma_start3A_527 : memref<1000000x32xf32, #tpu.memory_space<hbm>>) target(%dma_start3A_522 : memref<200x32xf32, #tpu.memory_space<vmem>>) offsets(%dma_start3A_524 : memref<200xi32, #tpu.memory_space<vmem>>) semaphore(%arg17 : memref<!tpu.dma_semaphore, #tpu.memory_space<semaphore_mem>>)
      %dma_wait3A_528 = arith.constant 0 : i32
      %dma_wait3A_529 = arith.constant 0 : i32
      %dma_wait3A_530 = tpu.memref_slice %arg3[%dma_wait3A_528, %dma_wait3A_529] : memref<1000000x32xf32, #tpu.memory_space<hbm>> -> memref<1000000x32xf32, #tpu.memory_space<hbm>>
      tpu.wait_indirect_dma semaphore(%arg20 : memref<!tpu.dma_semaphore, #tpu.memory_space<semaphore_mem>>) src(%dma_wait3A_530 : memref<1000000x32xf32, #tpu.memory_space<hbm>>) dst(%arg12 : memref<800x32xf32, #tpu.memory_space<vmem>>)
      %dma_start3A_531 = arith.constant 0 : i32
      %dma_start3A_532 = arith.constant 0 : i32
      %dma_start3A_533 = tpu.memref_slice %arg4[%dma_start3A_531, %dma_start3A_532] : memref<3276800x32xf32, #tpu.memory_space<hbm>> -> memref<3276800x32xf32, #tpu.memory_space<hbm>>
      tpu.enqueue_indirect_dma source(%arg12 : memref<800x32xf32, #tpu.memory_space<vmem>>) target(%dma_start3A_533 : memref<3276800x32xf32, #tpu.memory_space<hbm>>) offsets(%arg8 : memref<800xi32, #tpu.memory_space<vmem>>) semaphore(%arg24 : memref<!tpu.dma_semaphore, #tpu.memory_space<semaphore_mem>>)
    }
    %scan3A_215 = arith.constant 30 : i32
    %dma_wait3A_216 = arith.constant 0 : i32
    %dma_wait3A_217 = arith.constant 0 : i32
    %dma_wait3A_218 = tpu.memref_slice %arg4[%dma_wait3A_216, %dma_wait3A_217] : memref<3276800x32xf32, #tpu.memory_space<hbm>> -> memref<3276800x32xf32, #tpu.memory_space<hbm>>
    tpu.wait_indirect_dma semaphore(%arg22 : memref<!tpu.dma_semaphore, #tpu.memory_space<semaphore_mem>>) src(%arg10 : memref<800x32xf32, #tpu.memory_space<vmem>>) dst(%dma_wait3A_218 : memref<3276800x32xf32, #tpu.memory_space<hbm>>)
    %dma_start3A_219 = arith.constant 0 : i32
    %dma_start3A_220 = arith.constant 0 : i32
    %dma_start3A_221 = tpu.memref_slice %arg10[%dma_start3A_219, %dma_start3A_220] : memref<800x32xf32, #tpu.memory_space<vmem>> -> memref<200x32xf32, #tpu.memory_space<vmem>>
    %dma_start3A_222 = arith.constant 0 : i32
    %dma_start3A_223 = tpu.memref_slice %arg6[%dma_start3A_222] : memref<800xi32, #tpu.memory_space<vmem>> -> memref<200xi32, #tpu.memory_space<vmem>>
    %dma_start3A_224 = arith.constant 0 : i32
    %dma_start3A_225 = arith.constant 0 : i32
    %dma_start3A_226 = tpu.memref_slice %arg3[%dma_start3A_224, %dma_start3A_225] : memref<1000000x32xf32, #tpu.memory_space<hbm>> -> memref<1000000x32xf32, #tpu.memory_space<hbm>>
    tpu.enqueue_indirect_dma source(%dma_start3A_226 : memref<1000000x32xf32, #tpu.memory_space<hbm>>) target(%dma_start3A_221 : memref<200x32xf32, #tpu.memory_space<vmem>>) offsets(%dma_start3A_223 : memref<200xi32, #tpu.memory_space<vmem>>) semaphore(%arg18 : memref<!tpu.dma_semaphore, #tpu.memory_space<semaphore_mem>>)
    %dma_start3A_227 = arith.constant 200 : i32
    %dma_start3A_228 = arith.constant 0 : i32
    %dma_start3A_229 = tpu.memref_slice %arg10[%dma_start3A_227, %dma_start3A_228] : memref<800x32xf32, #tpu.memory_space<vmem>> -> memref<200x32xf32, #tpu.memory_space<vmem>>
    %dma_start3A_230 = arith.constant 200 : i32
    %dma_start3A_231 = tpu.memref_slice %arg6[%dma_start3A_230] : memref<800xi32, #tpu.memory_space<vmem>> -> memref<200xi32, #tpu.memory_space<vmem>>
    %dma_start3A_232 = arith.constant 0 : i32
    %dma_start3A_233 = arith.constant 0 : i32
    %dma_start3A_234 = tpu.memref_slice %arg3[%dma_start3A_232, %dma_start3A_233] : memref<1000000x32xf32, #tpu.memory_space<hbm>> -> memref<1000000x32xf32, #tpu.memory_space<hbm>>
    tpu.enqueue_indirect_dma source(%dma_start3A_234 : memref<1000000x32xf32, #tpu.memory_space<hbm>>) target(%dma_start3A_229 : memref<200x32xf32, #tpu.memory_space<vmem>>) offsets(%dma_start3A_231 : memref<200xi32, #tpu.memory_space<vmem>>) semaphore(%arg18 : memref<!tpu.dma_semaphore, #tpu.memory_space<semaphore_mem>>)
    %dma_start3A_235 = arith.constant 400 : i32
    %dma_start3A_236 = arith.constant 0 : i32
    %dma_start3A_237 = tpu.memref_slice %arg10[%dma_start3A_235, %dma_start3A_236] : memref<800x32xf32, #tpu.memory_space<vmem>> -> memref<200x32xf32, #tpu.memory_space<vmem>>
    %dma_start3A_238 = arith.constant 400 : i32
    %dma_start3A_239 = tpu.memref_slice %arg6[%dma_start3A_238] : memref<800xi32, #tpu.memory_space<vmem>> -> memref<200xi32, #tpu.memory_space<vmem>>
    %dma_start3A_240 = arith.constant 0 : i32
    %dma_start3A_241 = arith.constant 0 : i32
    %dma_start3A_242 = tpu.memref_slice %arg3[%dma_start3A_240, %dma_start3A_241] : memref<1000000x32xf32, #tpu.memory_space<hbm>> -> memref<1000000x32xf32, #tpu.memory_space<hbm>>
    tpu.enqueue_indirect_dma source(%dma_start3A_242 : memref<1000000x32xf32, #tpu.memory_space<hbm>>) target(%dma_start3A_237 : memref<200x32xf32, #tpu.memory_space<vmem>>) offsets(%dma_start3A_239 : memref<200xi32, #tpu.memory_space<vmem>>) semaphore(%arg18 : memref<!tpu.dma_semaphore, #tpu.memory_space<semaphore_mem>>)
    %dma_start3A_243 = arith.constant 600 : i32
    %dma_start3A_244 = arith.constant 0 : i32
    %dma_start3A_245 = tpu.memref_slice %arg10[%dma_start3A_243, %dma_start3A_244] : memref<800x32xf32, #tpu.memory_space<vmem>> -> memref<200x32xf32, #tpu.memory_space<vmem>>
    %dma_start3A_246 = arith.constant 600 : i32
    %dma_start3A_247 = tpu.memref_slice %arg6[%dma_start3A_246] : memref<800xi32, #tpu.memory_space<vmem>> -> memref<200xi32, #tpu.memory_space<vmem>>
    %dma_start3A_248 = arith.constant 0 : i32
    %dma_start3A_249 = arith.constant 0 : i32
    %dma_start3A_250 = tpu.memref_slice %arg3[%dma_start3A_248, %dma_start3A_249] : memref<1000000x32xf32, #tpu.memory_space<hbm>> -> memref<1000000x32xf32, #tpu.memory_space<hbm>>
    tpu.enqueue_indirect_dma source(%dma_start3A_250 : memref<1000000x32xf32, #tpu.memory_space<hbm>>) target(%dma_start3A_245 : memref<200x32xf32, #tpu.memory_space<vmem>>) offsets(%dma_start3A_247 : memref<200xi32, #tpu.memory_space<vmem>>) semaphore(%arg18 : memref<!tpu.dma_semaphore, #tpu.memory_space<semaphore_mem>>)
    %dma_wait3A_251 = arith.constant 0 : i32
    %dma_wait3A_252 = arith.constant 0 : i32
    %dma_wait3A_253 = tpu.memref_slice %arg3[%dma_wait3A_251, %dma_wait3A_252] : memref<1000000x32xf32, #tpu.memory_space<hbm>> -> memref<1000000x32xf32, #tpu.memory_space<hbm>>
    tpu.wait_indirect_dma semaphore(%arg17 : memref<!tpu.dma_semaphore, #tpu.memory_space<semaphore_mem>>) src(%dma_wait3A_253 : memref<1000000x32xf32, #tpu.memory_space<hbm>>) dst(%arg9 : memref<800x32xf32, #tpu.memory_space<vmem>>)
    %dma_start3A_254 = arith.constant 0 : i32
    %dma_start3A_255 = arith.constant 0 : i32
    %dma_start3A_256 = tpu.memref_slice %arg4[%dma_start3A_254, %dma_start3A_255] : memref<3276800x32xf32, #tpu.memory_space<hbm>> -> memref<3276800x32xf32, #tpu.memory_space<hbm>>
    tpu.enqueue_indirect_dma source(%arg9 : memref<800x32xf32, #tpu.memory_space<vmem>>) target(%dma_start3A_256 : memref<3276800x32xf32, #tpu.memory_space<hbm>>) offsets(%arg5 : memref<800xi32, #tpu.memory_space<vmem>>) semaphore(%arg21 : memref<!tpu.dma_semaphore, #tpu.memory_space<semaphore_mem>>)
    %dma_wait3A_257 = arith.constant 0 : i32
    %dma_wait3A_258 = arith.constant 0 : i32
    %dma_wait3A_259 = tpu.memref_slice %arg4[%dma_wait3A_257, %dma_wait3A_258] : memref<3276800x32xf32, #tpu.memory_space<hbm>> -> memref<3276800x32xf32, #tpu.memory_space<hbm>>
    tpu.wait_indirect_dma semaphore(%arg23 : memref<!tpu.dma_semaphore, #tpu.memory_space<semaphore_mem>>) src(%arg11 : memref<800x32xf32, #tpu.memory_space<vmem>>) dst(%dma_wait3A_259 : memref<3276800x32xf32, #tpu.memory_space<hbm>>)
    %dma_start3A_260 = arith.constant 0 : i32
    %dma_start3A_261 = arith.constant 0 : i32
    %dma_start3A_262 = tpu.memref_slice %arg11[%dma_start3A_260, %dma_start3A_261] : memref<800x32xf32, #tpu.memory_space<vmem>> -> memref<200x32xf32, #tpu.memory_space<vmem>>
    %dma_start3A_263 = arith.constant 0 : i32
    %dma_start3A_264 = tpu.memref_slice %arg7[%dma_start3A_263] : memref<800xi32, #tpu.memory_space<vmem>> -> memref<200xi32, #tpu.memory_space<vmem>>
    %dma_start3A_265 = arith.constant 0 : i32
    %dma_start3A_266 = arith.constant 0 : i32
    %dma_start3A_267 = tpu.memref_slice %arg3[%dma_start3A_265, %dma_start3A_266] : memref<1000000x32xf32, #tpu.memory_space<hbm>> -> memref<1000000x32xf32, #tpu.memory_space<hbm>>
    tpu.enqueue_indirect_dma source(%dma_start3A_267 : memref<1000000x32xf32, #tpu.memory_space<hbm>>) target(%dma_start3A_262 : memref<200x32xf32, #tpu.memory_space<vmem>>) offsets(%dma_start3A_264 : memref<200xi32, #tpu.memory_space<vmem>>) semaphore(%arg19 : memref<!tpu.dma_semaphore, #tpu.memory_space<semaphore_mem>>)
    %dma_start3A_268 = arith.constant 200 : i32
    %dma_start3A_269 = arith.constant 0 : i32
    %dma_start3A_270 = tpu.memref_slice %arg11[%dma_start3A_268, %dma_start3A_269] : memref<800x32xf32, #tpu.memory_space<vmem>> -> memref<200x32xf32, #tpu.memory_space<vmem>>
    %dma_start3A_271 = arith.constant 200 : i32
    %dma_start3A_272 = tpu.memref_slice %arg7[%dma_start3A_271] : memref<800xi32, #tpu.memory_space<vmem>> -> memref<200xi32, #tpu.memory_space<vmem>>
    %dma_start3A_273 = arith.constant 0 : i32
    %dma_start3A_274 = arith.constant 0 : i32
    %dma_start3A_275 = tpu.memref_slice %arg3[%dma_start3A_273, %dma_start3A_274] : memref<1000000x32xf32, #tpu.memory_space<hbm>> -> memref<1000000x32xf32, #tpu.memory_space<hbm>>
    tpu.enqueue_indirect_dma source(%dma_start3A_275 : memref<1000000x32xf32, #tpu.memory_space<hbm>>) target(%dma_start3A_270 : memref<200x32xf32, #tpu.memory_space<vmem>>) offsets(%dma_start3A_272 : memref<200xi32, #tpu.memory_space<vmem>>) semaphore(%arg19 : memref<!tpu.dma_semaphore, #tpu.memory_space<semaphore_mem>>)
    %dma_start3A_276 = arith.constant 400 : i32
    %dma_start3A_277 = arith.constant 0 : i32
    %dma_start3A_278 = tpu.memref_slice %arg11[%dma_start3A_276, %dma_start3A_277] : memref<800x32xf32, #tpu.memory_space<vmem>> -> memref<200x32xf32, #tpu.memory_space<vmem>>
    %dma_start3A_279 = arith.constant 400 : i32
    %dma_start3A_280 = tpu.memref_slice %arg7[%dma_start3A_279] : memref<800xi32, #tpu.memory_space<vmem>> -> memref<200xi32, #tpu.memory_space<vmem>>
    %dma_start3A_281 = arith.constant 0 : i32
    %dma_start3A_282 = arith.constant 0 : i32
    %dma_start3A_283 = tpu.memref_slice %arg3[%dma_start3A_281, %dma_start3A_282] : memref<1000000x32xf32, #tpu.memory_space<hbm>> -> memref<1000000x32xf32, #tpu.memory_space<hbm>>
    tpu.enqueue_indirect_dma source(%dma_start3A_283 : memref<1000000x32xf32, #tpu.memory_space<hbm>>) target(%dma_start3A_278 : memref<200x32xf32, #tpu.memory_space<vmem>>) offsets(%dma_start3A_280 : memref<200xi32, #tpu.memory_space<vmem>>) semaphore(%arg19 : memref<!tpu.dma_semaphore, #tpu.memory_space<semaphore_mem>>)
    %dma_start3A_284 = arith.constant 600 : i32
    %dma_start3A_285 = arith.constant 0 : i32
    %dma_start3A_286 = tpu.memref_slice %arg11[%dma_start3A_284, %dma_start3A_285] : memref<800x32xf32, #tpu.memory_space<vmem>> -> memref<200x32xf32, #tpu.memory_space<vmem>>
    %dma_start3A_287 = arith.constant 600 : i32
    %dma_start3A_288 = tpu.memref_slice %arg7[%dma_start3A_287] : memref<800xi32, #tpu.memory_space<vmem>> -> memref<200xi32, #tpu.memory_space<vmem>>
    %dma_start3A_289 = arith.constant 0 : i32
    %dma_start3A_290 = arith.constant 0 : i32
    %dma_start3A_291 = tpu.memref_slice %arg3[%dma_start3A_289, %dma_start3A_290] : memref<1000000x32xf32, #tpu.memory_space<hbm>> -> memref<1000000x32xf32, #tpu.memory_space<hbm>>
    tpu.enqueue_indirect_dma source(%dma_start3A_291 : memref<1000000x32xf32, #tpu.memory_space<hbm>>) target(%dma_start3A_286 : memref<200x32xf32, #tpu.memory_space<vmem>>) offsets(%dma_start3A_288 : memref<200xi32, #tpu.memory_space<vmem>>) semaphore(%arg19 : memref<!tpu.dma_semaphore, #tpu.memory_space<semaphore_mem>>)
    %dma_wait3A_292 = arith.constant 0 : i32
    %dma_wait3A_293 = arith.constant 0 : i32
    %dma_wait3A_294 = tpu.memref_slice %arg3[%dma_wait3A_292, %dma_wait3A_293] : memref<1000000x32xf32, #tpu.memory_space<hbm>> -> memref<1000000x32xf32, #tpu.memory_space<hbm>>
    tpu.wait_indirect_dma semaphore(%arg18 : memref<!tpu.dma_semaphore, #tpu.memory_space<semaphore_mem>>) src(%dma_wait3A_294 : memref<1000000x32xf32, #tpu.memory_space<hbm>>) dst(%arg10 : memref<800x32xf32, #tpu.memory_space<vmem>>)
    %dma_start3A_295 = arith.constant 0 : i32
    %dma_start3A_296 = arith.constant 0 : i32
    %dma_start3A_297 = tpu.memref_slice %arg4[%dma_start3A_295, %dma_start3A_296] : memref<3276800x32xf32, #tpu.memory_space<hbm>> -> memref<3276800x32xf32, #tpu.memory_space<hbm>>
    tpu.enqueue_indirect_dma source(%arg10 : memref<800x32xf32, #tpu.memory_space<vmem>>) target(%dma_start3A_297 : memref<3276800x32xf32, #tpu.memory_space<hbm>>) offsets(%arg6 : memref<800xi32, #tpu.memory_space<vmem>>) semaphore(%arg22 : memref<!tpu.dma_semaphore, #tpu.memory_space<semaphore_mem>>)
    %dma_wait3A_298 = arith.constant 0 : i32
    %dma_wait3A_299 = arith.constant 0 : i32
    %dma_wait3A_300 = tpu.memref_slice %arg4[%dma_wait3A_298, %dma_wait3A_299] : memref<3276800x32xf32, #tpu.memory_space<hbm>> -> memref<3276800x32xf32, #tpu.memory_space<hbm>>
    tpu.wait_indirect_dma semaphore(%arg24 : memref<!tpu.dma_semaphore, #tpu.memory_space<semaphore_mem>>) src(%arg12 : memref<800x32xf32, #tpu.memory_space<vmem>>) dst(%dma_wait3A_300 : memref<3276800x32xf32, #tpu.memory_space<hbm>>)
    %dma_start3A_301 = arith.constant 0 : i32
    %dma_start3A_302 = arith.constant 0 : i32
    %dma_start3A_303 = tpu.memref_slice %arg12[%dma_start3A_301, %dma_start3A_302] : memref<800x32xf32, #tpu.memory_space<vmem>> -> memref<200x32xf32, #tpu.memory_space<vmem>>
    %dma_start3A_304 = arith.constant 0 : i32
    %dma_start3A_305 = tpu.memref_slice %arg8[%dma_start3A_304] : memref<800xi32, #tpu.memory_space<vmem>> -> memref<200xi32, #tpu.memory_space<vmem>>
    %dma_start3A_306 = arith.constant 0 : i32
    %dma_start3A_307 = arith.constant 0 : i32
    %dma_start3A_308 = tpu.memref_slice %arg3[%dma_start3A_306, %dma_start3A_307] : memref<1000000x32xf32, #tpu.memory_space<hbm>> -> memref<1000000x32xf32, #tpu.memory_space<hbm>>
    tpu.enqueue_indirect_dma source(%dma_start3A_308 : memref<1000000x32xf32, #tpu.memory_space<hbm>>) target(%dma_start3A_303 : memref<200x32xf32, #tpu.memory_space<vmem>>) offsets(%dma_start3A_305 : memref<200xi32, #tpu.memory_space<vmem>>) semaphore(%arg20 : memref<!tpu.dma_semaphore, #tpu.memory_space<semaphore_mem>>)
    %dma_start3A_309 = arith.constant 200 : i32
    %dma_start3A_310 = arith.constant 0 : i32
    %dma_start3A_311 = tpu.memref_slice %arg12[%dma_start3A_309, %dma_start3A_310] : memref<800x32xf32, #tpu.memory_space<vmem>> -> memref<200x32xf32, #tpu.memory_space<vmem>>
    %dma_start3A_312 = arith.constant 200 : i32
    %dma_start3A_313 = tpu.memref_slice %arg8[%dma_start3A_312] : memref<800xi32, #tpu.memory_space<vmem>> -> memref<200xi32, #tpu.memory_space<vmem>>
    %dma_start3A_314 = arith.constant 0 : i32
    %dma_start3A_315 = arith.constant 0 : i32
    %dma_start3A_316 = tpu.memref_slice %arg3[%dma_start3A_314, %dma_start3A_315] : memref<1000000x32xf32, #tpu.memory_space<hbm>> -> memref<1000000x32xf32, #tpu.memory_space<hbm>>
    tpu.enqueue_indirect_dma source(%dma_start3A_316 : memref<1000000x32xf32, #tpu.memory_space<hbm>>) target(%dma_start3A_311 : memref<200x32xf32, #tpu.memory_space<vmem>>) offsets(%dma_start3A_313 : memref<200xi32, #tpu.memory_space<vmem>>) semaphore(%arg20 : memref<!tpu.dma_semaphore, #tpu.memory_space<semaphore_mem>>)
    %dma_start3A_317 = arith.constant 400 : i32
    %dma_start3A_318 = arith.constant 0 : i32
    %dma_start3A_319 = tpu.memref_slice %arg12[%dma_start3A_317, %dma_start3A_318] : memref<800x32xf32, #tpu.memory_space<vmem>> -> memref<200x32xf32, #tpu.memory_space<vmem>>
    %dma_start3A_320 = arith.constant 400 : i32
    %dma_start3A_321 = tpu.memref_slice %arg8[%dma_start3A_320] : memref<800xi32, #tpu.memory_space<vmem>> -> memref<200xi32, #tpu.memory_space<vmem>>
    %dma_start3A_322 = arith.constant 0 : i32
    %dma_start3A_323 = arith.constant 0 : i32
    %dma_start3A_324 = tpu.memref_slice %arg3[%dma_start3A_322, %dma_start3A_323] : memref<1000000x32xf32, #tpu.memory_space<hbm>> -> memref<1000000x32xf32, #tpu.memory_space<hbm>>
    tpu.enqueue_indirect_dma source(%dma_start3A_324 : memref<1000000x32xf32, #tpu.memory_space<hbm>>) target(%dma_start3A_319 : memref<200x32xf32, #tpu.memory_space<vmem>>) offsets(%dma_start3A_321 : memref<200xi32, #tpu.memory_space<vmem>>) semaphore(%arg20 : memref<!tpu.dma_semaphore, #tpu.memory_space<semaphore_mem>>)
    %dma_start3A_325 = arith.constant 600 : i32
    %dma_start3A_326 = arith.constant 0 : i32
    %dma_start3A_327 = tpu.memref_slice %arg12[%dma_start3A_325, %dma_start3A_326] : memref<800x32xf32, #tpu.memory_space<vmem>> -> memref<200x32xf32, #tpu.memory_space<vmem>>
    %dma_start3A_328 = arith.constant 600 : i32
    %dma_start3A_329 = tpu.memref_slice %arg8[%dma_start3A_328] : memref<800xi32, #tpu.memory_space<vmem>> -> memref<200xi32, #tpu.memory_space<vmem>>
    %dma_start3A_330 = arith.constant 0 : i32
    %dma_start3A_331 = arith.constant 0 : i32
    %dma_start3A_332 = tpu.memref_slice %arg3[%dma_start3A_330, %dma_start3A_331] : memref<1000000x32xf32, #tpu.memory_space<hbm>> -> memref<1000000x32xf32, #tpu.memory_space<hbm>>
    tpu.enqueue_indirect_dma source(%dma_start3A_332 : memref<1000000x32xf32, #tpu.memory_space<hbm>>) target(%dma_start3A_327 : memref<200x32xf32, #tpu.memory_space<vmem>>) offsets(%dma_start3A_329 : memref<200xi32, #tpu.memory_space<vmem>>) semaphore(%arg20 : memref<!tpu.dma_semaphore, #tpu.memory_space<semaphore_mem>>)
    %dma_wait3A_333 = arith.constant 0 : i32
    %dma_wait3A_334 = arith.constant 0 : i32
    %dma_wait3A_335 = tpu.memref_slice %arg3[%dma_wait3A_333, %dma_wait3A_334] : memref<1000000x32xf32, #tpu.memory_space<hbm>> -> memref<1000000x32xf32, #tpu.memory_space<hbm>>
    tpu.wait_indirect_dma semaphore(%arg19 : memref<!tpu.dma_semaphore, #tpu.memory_space<semaphore_mem>>) src(%dma_wait3A_335 : memref<1000000x32xf32, #tpu.memory_space<hbm>>) dst(%arg11 : memref<800x32xf32, #tpu.memory_space<vmem>>)
    %dma_start3A_336 = arith.constant 0 : i32
    %dma_start3A_337 = arith.constant 0 : i32
    %dma_start3A_338 = tpu.memref_slice %arg4[%dma_start3A_336, %dma_start3A_337] : memref<3276800x32xf32, #tpu.memory_space<hbm>> -> memref<3276800x32xf32, #tpu.memory_space<hbm>>
    tpu.enqueue_indirect_dma source(%arg11 : memref<800x32xf32, #tpu.memory_space<vmem>>) target(%dma_start3A_338 : memref<3276800x32xf32, #tpu.memory_space<hbm>>) offsets(%arg7 : memref<800xi32, #tpu.memory_space<vmem>>) semaphore(%arg23 : memref<!tpu.dma_semaphore, #tpu.memory_space<semaphore_mem>>)
    %dma_wait3A_339 = arith.constant 0 : i32
    %dma_wait3A_340 = arith.constant 0 : i32
    %dma_wait3A_341 = tpu.memref_slice %arg4[%dma_wait3A_339, %dma_wait3A_340] : memref<3276800x32xf32, #tpu.memory_space<hbm>> -> memref<3276800x32xf32, #tpu.memory_space<hbm>>
    tpu.wait_indirect_dma semaphore(%arg21 : memref<!tpu.dma_semaphore, #tpu.memory_space<semaphore_mem>>) src(%arg9 : memref<800x32xf32, #tpu.memory_space<vmem>>) dst(%dma_wait3A_341 : memref<3276800x32xf32, #tpu.memory_space<hbm>>)
    %dma_wait3A_342 = arith.constant 0 : i32
    %dma_wait3A_343 = arith.constant 0 : i32
    %dma_wait3A_344 = tpu.memref_slice %arg3[%dma_wait3A_342, %dma_wait3A_343] : memref<1000000x32xf32, #tpu.memory_space<hbm>> -> memref<1000000x32xf32, #tpu.memory_space<hbm>>
    tpu.wait_indirect_dma semaphore(%arg20 : memref<!tpu.dma_semaphore, #tpu.memory_space<semaphore_mem>>) src(%dma_wait3A_344 : memref<1000000x32xf32, #tpu.memory_space<hbm>>) dst(%arg12 : memref<800x32xf32, #tpu.memory_space<vmem>>)
    %dma_start3A_345 = arith.constant 0 : i32
    %dma_start3A_346 = arith.constant 0 : i32
    %dma_start3A_347 = tpu.memref_slice %arg4[%dma_start3A_345, %dma_start3A_346] : memref<3276800x32xf32, #tpu.memory_space<hbm>> -> memref<3276800x32xf32, #tpu.memory_space<hbm>>
    tpu.enqueue_indirect_dma source(%arg12 : memref<800x32xf32, #tpu.memory_space<vmem>>) target(%dma_start3A_347 : memref<3276800x32xf32, #tpu.memory_space<hbm>>) offsets(%arg8 : memref<800xi32, #tpu.memory_space<vmem>>) semaphore(%arg24 : memref<!tpu.dma_semaphore, #tpu.memory_space<semaphore_mem>>)
    %dma_wait3A_348 = arith.constant 0 : i32
    %dma_wait3A_349 = arith.constant 0 : i32
    %dma_wait3A_350 = tpu.memref_slice %arg4[%dma_wait3A_348, %dma_wait3A_349] : memref<3276800x32xf32, #tpu.memory_space<hbm>> -> memref<3276800x32xf32, #tpu.memory_space<hbm>>
    tpu.wait_indirect_dma semaphore(%arg22 : memref<!tpu.dma_semaphore, #tpu.memory_space<semaphore_mem>>) src(%arg10 : memref<800x32xf32, #tpu.memory_space<vmem>>) dst(%dma_wait3A_350 : memref<3276800x32xf32, #tpu.memory_space<hbm>>)
    %dma_wait3A_351 = arith.constant 0 : i32
    %dma_wait3A_352 = arith.constant 0 : i32
    %dma_wait3A_353 = tpu.memref_slice %arg4[%dma_wait3A_351, %dma_wait3A_352] : memref<3276800x32xf32, #tpu.memory_space<hbm>> -> memref<3276800x32xf32, #tpu.memory_space<hbm>>
    tpu.wait_indirect_dma semaphore(%arg23 : memref<!tpu.dma_semaphore, #tpu.memory_space<semaphore_mem>>) src(%arg11 : memref<800x32xf32, #tpu.memory_space<vmem>>) dst(%dma_wait3A_353 : memref<3276800x32xf32, #tpu.memory_space<hbm>>)
    %dma_wait3A_354 = arith.constant 0 : i32
    %dma_wait3A_355 = arith.constant 0 : i32
    %dma_wait3A_356 = tpu.memref_slice %arg4[%dma_wait3A_354, %dma_wait3A_355] : memref<3276800x32xf32, #tpu.memory_space<hbm>> -> memref<3276800x32xf32, #tpu.memory_space<hbm>>
    tpu.wait_indirect_dma semaphore(%arg24 : memref<!tpu.dma_semaphore, #tpu.memory_space<semaphore_mem>>) src(%arg12 : memref<800x32xf32, #tpu.memory_space<vmem>>) dst(%dma_wait3A_356 : memref<3276800x32xf32, #tpu.memory_space<hbm>>)
    return
  }
}

</mosaic_0001>

<sc_bundles>
// kernel: kernel.3.cloned.1.call-start
scs
__scs_entry_jumppad:
0x0: {  	(pc) =	sbr.rel $0x88, $3  }
0x1: {  	(tag) =	ssettag $0x0;
	lr =	simm.s32 $0x1  }
0x2: {  	[smem:$0x3F9F] =	sst lr;
	_ =	strace $0xD0000000  }
0x3: {  	_ = 	snop  }
0x4: {  	_ = 	snop  }
0x5: {  	_ = 	snop  }
0x6: {  	_ = 	snop  }
0x7: {  	_ = 	snop  }
__scs_overlays_trampoline_lowered:
0x8: {  	[smem:$0x3FAE] =	sst s0  }
0x9: {  	[smem:$0x3FAF] =	sst s1  }
0xa: {  	[smem:$0x3FB0] =	sst s2  }
0xb: {  	[smem:$0x3FB1] =	sst s3  }
0xc: {  	[smem:$0x3FB2] =	sst s4  }
0xd: {  	[smem:$0x3FB3] =	sst s5  }
0xe: {  	[smem:$0x3FB4] =	sst s6  }
0xf: {  	[smem:$0x3FB5] =	sst s7  }
0x10: {  	[smem:$0x3FB6] =	sst s8  }
0x11: {  	[smem:$0x3FB7] =	sst s9;
	s0 =	simm.s32 @!p0 $0x0  }
0x12: {  	s1 =	sld [smem:$0x3F9D];
	s0 =	simm.s32 @p0 $0x1  }
0x13: {  	[smem:$0x3FB8] =	sst s0;
	s0 =	simm.s32 @!p1 $0x0  }
0x14: {  	s2 =	sld [smem:$0x3F9C];
	s0 =	simm.s32 @p1 $0x1  }
0x15: {  	[smem:$0x3FB9] =	sst s0;
	s0 =	simm.s32 @!p2 $0x0  }
0x16: {  	s3 =	sld [smem:$0x3FDB];
	s0 =	simm.s32 @p2 $0x1  }
0x17: {  	s4 =	simm.s32 $0x1BF5;
	[smem:$0x3FBB] =	sst s0  }
0x18: {  	s0 =	sld [smem:$0x3F9E];
	_ =	swait.ge [sflag:s4], $0x0  }
0x19: {  	s7 =	sld [smem:$0x3F9F]  }
0x1a: {  	s8 =	sadd.s32 $0xFFFFE003, lr  }
0x1b: {  	s9 =	sadd.s32 $0xFFFFFEF7, lr;
	s5 =	simm.s32 $0xFFFFFFFF;
	p2 =	slt.u32 s8, $0xFFFFF086  }
0x1c: {  	p1 =	slt.u32 s9, $0xF7A;
	s5 =	simm.s32 @!p2 $0x0  }
0x1d: {  	s5 =	simm.s32 @p1 $0x1;
	p0 =	seq.s32 s7, s2  }
0x1e: {  	s7 =	smul.u32 @!p0 $0xF7A, s2;
	p2 =	seq.s32 @!p0 s5, $0x0  }
0x1f: {  	s9 =	smul.u32 $0xF7A, s1;
	s8 =	simm.s32 @!p0 $0x1BF5;
	p2 =	por !p2, p0  }
0x20: {  	[sflag:s8] =	ssyncset.s32 @!p0 $0xFFFFF086;
	s6 =	sadd.s32 @!p0 s3, s7;
	s7 =	simm.s32 @!p0 $0x108  }
0x21: {  	s3 =	sadd.s32 s3, s9;
	s6 =	sadd.s32 @!p0 $0x88, s6;
	s7 =	simm.s32 @p2 $0x1082  }
0x22: {  	[simem:s7], [sflag:s8] =	dma.local @!p0 [hbm:s6], $0xF7A  }
0x23: {  	s9 =	sor.u32 $0xD0000000, s2;
	s6 =	simm.s32 $0x108;
	_ =	swait.ge @!p0 [sflag:s8], $0x0  }
0x24: {  	s3 =	sadd.s32 $0x88, s3;
	s6 =	simm.s32 @!p1 $0x1082;
	[sflag:s4] =	ssyncset.s32 $0xFFFFF086  }
0x25: {  	[simem:s6], [sflag:s4] =	dma.local [hbm:s3], $0xF7A  }
0x26: {  	[smem:$0x3F9F] =	sst s1;
	(tag) =	ssettag s2;
	_ =	strace s9  }
0x27: {  	s1 =	sld [smem:$0x3FAF]  }
0x28: {  	s2 =	sld [smem:$0x3FB0]  }
0x29: {  	s4 =	sld [smem:$0x3FB2]  }
0x2a: {  	p0 =	seq.s32 s5, $0x0;
	s5 =	sld [smem:$0x3FB3]  }
0x2b: {  	s6 =	sld [smem:$0x3FB4]  }
0x2c: {  	s7 =	sld [smem:$0x3FB5]  }
0x2d: {  	s3 =	simm.s32 $0x108;
	s8 =	sld [smem:$0x3FB6]  }
0x2e: {  	s3 =	simm.s32 @!p0 $0x1082;
	s9 =	sld [smem:$0x3FB7]  }
0x2f: {  	lr =	sadd.s32 s0, s3;
	s0 =	sld [smem:$0x3FAE]  }
0x30: {  	s3 =	sld [smem:$0x3FB1]  }
0x31: {  	[smem:$0x3FBA] =	sst s10  }
0x32: {  	s10 =	sld [smem:$0x3FB8];
	_ =	sdelay $0x3  }
0x33: {  	p0 =	seq.s32 s10, $0x1;
	s10 =	sld [smem:$0x3FBA];
	_ =	sdelay $0x3  }
0x34: {  	[smem:$0x3FBA] =	sst s10  }
0x35: {  	s10 =	sld [smem:$0x3FB9];
	_ =	sdelay $0x3  }
0x36: {  	p1 =	seq.s32 s10, $0x1;
	s10 =	sld [smem:$0x3FBA];
	_ =	sdelay $0x3  }
0x37: {  	[smem:$0x3FBA] =	sst s10  }
0x38: {  	s10 =	sld [smem:$0x3FBB]  }
0x39: {  	_ = 	snop;
	(pc) =	sbr.ind lr, $3  }
0x3a: {  	_ = 	snop  }
0x3b: {  	_ = 	snop  }
0x3c: {  	p2 =	seq.s32 s10, $0x1;
	s10 =	sld [smem:$0x3FBA]  }
0x3d: {  	_ =	shalt  }
0x3e: {  	_ =	shalt  }
0x3f: {  	_ =	shalt  }
0x40: {  	_ =	shalt  }
0x41: {  	_ =	shalt  }
0x42: {  	_ =	shalt  }
0x43: {  	_ =	shalt  }
0x44: {  	_ =	shalt  }
0x45: {  	_ =	shalt  }
0x46: {  	_ =	shalt  }
0x47: {  	_ =	shalt  }
0x48: {  	_ =	shalt  }
0x49: {  	_ =	shalt  }
0x4a: {  	_ =	shalt  }
0x4b: {  	_ =	shalt  }
0x4c: {  	_ =	shalt  }
0x4d: {  	_ =	shalt  }
0x4e: {  	_ =	shalt  }
0x4f: {  	_ =	shalt  }
0x50: {  	_ =	shalt  }
0x51: {  	_ =	shalt  }
0x52: {  	_ =	shalt  }
0x53: {  	_ =	shalt  }
0x54: {  	_ =	shalt  }
0x55: {  	_ =	shalt  }
0x56: {  	_ =	shalt  }
0x57: {  	_ =	shalt  }
0x58: {  	_ =	shalt  }
0x59: {  	_ =	shalt  }
0x5a: {  	_ =	shalt  }
0x5b: {  	_ =	shalt  }
0x5c: {  	_ =	shalt  }
0x5d: {  	_ =	shalt  }
0x5e: {  	_ =	shalt  }
0x5f: {  	_ =	shalt  }
0x60: {  	_ =	shalt  }
0x61: {  	_ =	shalt  }
0x62: {  	_ =	shalt  }
0x63: {  	_ =	shalt  }
0x64: {  	_ =	shalt  }
0x65: {  	_ =	shalt  }
0x66: {  	_ =	shalt  }
0x67: {  	_ =	shalt  }
0x68: {  	_ =	shalt  }
0x69: {  	_ =	shalt  }
0x6a: {  	_ =	shalt  }
0x6b: {  	_ =	shalt  }
0x6c: {  	_ =	shalt  }
0x6d: {  	_ =	shalt  }
0x6e: {  	_ =	shalt  }
0x6f: {  	_ =	shalt  }
0x70: {  	_ =	shalt  }
0x71: {  	_ =	shalt  }
0x72: {  	_ =	shalt  }
0x73: {  	_ =	shalt  }
0x74: {  	_ =	shalt  }
0x75: {  	_ =	shalt  }
0x76: {  	_ =	shalt  }
0x77: {  	_ =	shalt  }
0x78: {  	_ =	shalt  }
0x79: {  	_ =	shalt  }
0x7a: {  	_ =	shalt  }
0x7b: {  	_ =	shalt  }
0x7c: {  	_ =	shalt  }
0x7d: {  	_ =	shalt  }
0x7e: {  	_ =	shalt  }
0x7f: {  	_ =	shalt  }
0x80: {  	_ =	shalt  }
0x81: {  	_ =	shalt  }
0x82: {  	_ =	shalt  }
0x83: {  	_ =	shalt  }
0x84: {  	_ =	shalt  }
0x85: {  	_ =	shalt  }
0x86: {  	_ =	shalt  }
0x87: {  	_ =	shalt  }
.Lfunc_end0:
.L_simem_size_0:
called_computation.1_lowered:
.L_overlay_start_0:
0x88: {  	s2 =	sld [smem:$0x3FD9]  }
0x89: {  	s3 =	sld [smem:$0x3FFE];
	_ =	sdelay $0x1  }
0x8a: {  	s1 =	srdreg.scid  }
0x8b: {  	s0 =	sand.u32 $0x1, s1  }
0x8c: {  	s17 =	sshll.u32 s0, $0xA;
	s2 =	sadd.s32 s3, s2  }
0x8d: {  	s2 =	sadd.s32 s2, s17  }
0x8e: {  	[smem:$0x3FC6] =	sst s2  }
0x8f: {  	_ = 	snop  }
0x90: {  	s2 =	sld [smem:$0x3FD0];
	(tm) =	ssettm $0x1  }
0x91: {  	s18 =	sld [smem:$0x3FFB];
	_ =	sdelay $0x3  }
0x92: {  	_ =	strace s18  }
0x93: {  	s3 =	sld [smem:$0x3FFC];
	_ =	sdelay $0x3  }
0x94: {  	_ =	strace s3  }
0x95: {  	s3 =	sld [smem:$0x3FFD];
	_ =	sdelay $0x3  }
0x96: {  	_ =	strace s3  }
0x97: {  	_ =	strace $0x8FFFFFFF  }
0x98: {  	s19 =	sld [smem:$0x3FDB];
	_ =	sdelay $0x1  }
0x99: {  	s4 =	simm.s32 $_scs_section_size  }
0x9a: {  	s5 =	simm.s32 $_size__tile_overlayer_lowered;
	s6 =	simm.s32 $_tile_overlayer_lowered  }
0x9b: {  	s22 =	simm.s32 $0x1BFF;
	s21 =	sshll.u32 s6, $0x1;
	s3 =	sadd.s32 s4, s19  }
0x9c: {  	s7 =	simm.s32 $0x0;
	s20 =	sshll.u32 s5, $0x1;
	s5 =	sadd.s32 s21, s3  }
0x9d: {  	[timem:s7], [sflag:s22] =	dma.local [hbm:s5], s20  }
0x9e: {  	_ =	swait.ge [sflag:s22], s20  }
0x9f: {  	s4 =	ssub.s32 $0x0, s20;
	[sflag:s22] =	ssyncset.done $0x0  }
0xa0: {  	[sflag:s22] =	ssyncadd.s32 s4;
	_ =	sdelay $0x1  }
0xa1: {  	s23 =	simm.s32 $0x1B8B  }
0xa2: {  	_ =	swait.ge [sflag:s23], $0x1  }
0xa3: {  	[sflag:s23] =	ssyncset.done $0x0  }
0xa4: {  	s25 =	simm.s32 $0x1B8E;
	s24 =	sld [smem:$0x3FFE];
	[sflag:s23] =	ssyncadd.s32 $0xFFFFFFFF  }
0xa5: {  	s26 =	simm.s32 $execute0_lowered;
	[smem:$0x3FD2] =	sst s25  }
0xa6: {  	s5 =	sshll.u32 s26, $0x1;
	_ =	strace $0x80000046;
	[dreg:$0x1] =	wrdreg $0xFFFFFFFF  }
0xa7: {  	s28 =	simm.s32 $_size_execute0_lowered;
	s3 =	sadd.s32 s3, s5;
	[dreg:$0x0] =	wrdreg $0x0  }
0xa8: {  	s5 =	sshll.u32 s28, $0x1;
	[dreg:$0x2] =	wrdreg s3  }
0xa9: {  	[dreg:$0x3] =	wrdreg s5  }
0xaa: {  	[dreg:$0x4] =	wrdreg $0xC0  }
0xab: {  	_ =	task [dreg:s7], $0x5FFFF  }
0xac: {  	[dreg:$0x1] =	wrdreg $0xFFFFFFFF  }
0xad: {  	[dreg:$0x0] =	wrdreg $0x60  }
0xae: {  	[dreg:$0x2] =	wrdreg s24  }
0xaf: {  	[dreg:$0x3] =	wrdreg s2  }
0xb0: {  	[dreg:$0x4] =	wrdreg $0x9  }
0xb1: {  	_ =	task.clear_ibuf [dreg:s7], $0x5FFFF;
	_ =	strace $0x90000046  }
0xb2: {  	s29 =	simm.s32 $0x9;
	_ =	strace $0x80000048  }
0xb3: {  	_ =	swait.ge [sflag:s29], $0x1  }
0xb4: {  	[sflag:s29] =	ssyncadd.s32 $0xFFFFFFFF  }
0xb5: {  	_ =	strace $0x90000048  }
0xb6: {  	_ =	sfence  }
0xb7: {  	s30 =	sld [smem:$0x0];
	_ =	sdelay $0x2  }
0xb8: {  	s31 =	sshll.u32 s1, $0xD;
	s1 =	sshrl.u32 s1, $0x2  }
0xb9: {  	s3 =	sand.u32 $0x4000, s31;
	s1 =	sadd.s32 s1, s30  }
0xba: {  	s0 =	sor.u32 s3, s0;
	s1 =	sshll.u32 s1, $0x11  }
0xbb: {  	s0 =	sor.u32 s1, s0  }
0xbc: {  	s0 =	sadd.s32 $0x8F2B, s0  }
0xbd: {  	[sflag:s0] =	ssyncadd.remote.s32 $0x1  }
0xbe: {  	_ =	sfence.sel $0xFFFF  }
0xbf: {  	[dreg:$0x0] =	wrdreg $0xFFFFFFFF;
	(pc) =	sbr.abs _section_cstart, $3  }
0xc0: {  	[dreg:$0x1] =	wrdreg $0xFFFFFFFF  }
0xc1: {  	_ =	task.clear_ibuf [dreg:s7], $0x2FFFF;
	_ =	strace $0x9FFFFFFF  }
0xc2: {  	(tm) =	ssettm $0x7FFFFFFF  }
0xc3: {  	_ =	shalt  }
tec
execute0_lowered:
.L_overlay_start_1:
0x0: {  	(tag) =	ssettag $0x1  }
0x1: {  	s0 =	srdreg.scid  }
0x2: {  	s2 =	stileid.u32;
	s1 =	rddreg [dreg:$0x0];
	s10 =	simm.s32 $0x320  }
0x3: {  	s11 =	simm.s32 $0x640;
	s12 =	simm.s32 $0x960;
	s17 =	simm.s32 $0xC8  }
0x4: {  	s18 =	simm.s32 $0xC80;
	s14 =	simm.s32 $0x6;
	s15 =	simm.s32 $0x13880  }
0x5: {  	s28 =	simm.s32 $0x8;
	s0 =	sand.u32 $0x1, s0;
	s3 =	sshll.u32 s2, $0x1  }
0x6: {  	s29 =	simm.s32 $0xA;
	s4 =	sor.u32 s0, s3;
	s0 =	ssub.s32 $0x2, s0  }
0x7: {  	s30 =	simm.s32 $0xB;
	s4 =	smul.u32 $0x3200, s4;
	s6 =	sshrl.u32 s0, $0x1  }
0x8: {  	s2 =	rddreg [dreg:$0x1];
	s3 =	simm.s32 $0x0;
	s0 =	ssub.s32 s0, s6  }
0x9: {  	[smem:$0x7FF] =	sst s3;
	s5 =	sadd.s32 s4, s1;
	s0 =	smax.u32 s0, $0x1  }
0xa: {  	_ =	strace $0x80000047;
	s23 =	sadd.s32 $0x800, s5;
	[dreg:$0x7] =	wrdreg s0  }
0xb: {  	s31 =	simm.s32 $0xC;
	s24 =	sadd.s32 $0x864, s5;
	[dreg:$0x3] =	wrdreg s23  }
0xc: {  	s6 =	simm.s32 $0x0;
	s25 =	sadd.s32 $0x8C8, s5;
	[dreg:$0x4] =	wrdreg s24  }
0xd: {  	s4 =	sadd.s32 $0xFA6C00, s1;
	s26 =	sadd.s32 $0x92C, s5;
	[dreg:$0x5] =	wrdreg s25  }
0xe: {  	s1 =	simm.s32 $0x5;
	s0 =	simm.s32 $0xD480;
	[dreg:$0x6] =	wrdreg s26  }
0xf: {  	s24 =	simm.s32 $0x7080;
	s25 =	simm.s32 $0x7;
	s26 =	simm.s32 $0x9  }
.LBB2_1:
0x10: {  	[dreg:$0x8] =	wrdreg s6  }
0x11: {  	s5 =	rddreg [dreg:$0x3]  }
0x12: {  	[tilespmem:s3], [sflag:$0x1] =	stream.linear.gather [hbm4b:s5+s3], $0x320, $0x38;
	[tilespmem:$0x19C80] =	vst v63  }
0x13: {  	s6 =	rddreg [dreg:$0x4]  }
0x14: {  	[tilespmem:s10], [sflag:$0x2] =	stream.linear.gather [hbm4b:s6+s3], $0x320, $0x38;
	[tilespmem:$0x19C80] =	vst v63  }
0x15: {  	s7 =	rddreg [dreg:$0x5]  }
0x16: {  	[tilespmem:s11], [sflag:$0x3] =	stream.linear.gather [hbm4b:s7+s3], $0x320, $0x38;
	[tilespmem:$0x19C80] =	vst v63  }
0x17: {  	s8 =	rddreg [dreg:$0x6];
	s9 =	simm.s32 $0x1  }
0x18: {  	[tilespmem:s12], [sflag:$0x4] =	stream.linear.gather [hbm4b:s8+s3], $0x320, $0x38;
	[tilespmem:$0x19C80] =	vst v63  }
0x19: {  	_ =	swait.ge [sflag:s9], $0x320  }
0x1a: {  	[sflag:s9] =	ssyncset.done $0x0  }
0x1b: {  	s13 =	simm.s32 $0x2;
	[sflag:s9] =	ssyncadd.s32 $0xFFFFFCE0  }
0x1c: {  	_ =	swait.ge [sflag:s13], $0x320  }
0x1d: {  	[sflag:s13] =	ssyncset.done $0x0  }
0x1e: {  	s16 =	simm.s32 $0x3;
	[sflag:s13] =	ssyncadd.s32 $0xFFFFFCE0  }
0x1f: {  	_ =	swait.ge [sflag:s16], $0x320  }
0x20: {  	[sflag:s16] =	ssyncset.done $0x0  }
0x21: {  	s19 =	simm.s32 $0x4;
	[sflag:s16] =	ssyncadd.s32 $0xFFFFFCE0  }
0x22: {  	_ =	swait.ge [sflag:s19], $0x320  }
0x23: {  	[sflag:s19] =	ssyncset.done $0x0  }
0x24: {  	[sflag:s19] =	ssyncadd.s32 $0xFFFFFCE0  }
0x25: {  	[tilespmem:s18], [sflag:$0x5] =	stream.indirect.gather [hbm4b:s4+s17], $0x20, s3, s17, $0xb8;
	[tilespmem:$0x19C80] =	vst v63  }
0x26: {  	s6 =	simm.s32 $0x2580  }
0x27: {  	[tilespmem:s6], [sflag:$0x5] =	stream.indirect.gather [hbm4b:s4+s17], $0x20, s17, s17, $0xb8;
	[tilespmem:$0x19C80] =	vst v63  }
0x28: {  	s20 =	simm.s32 $0x3E80;
	s7 =	simm.s32 $0x190  }
0x29: {  	[tilespmem:s20], [sflag:$0x5] =	stream.indirect.gather [hbm4b:s4+s17], $0x20, s7, s17, $0xb8;
	[tilespmem:$0x19C80] =	vst v63  }
0x2a: {  	s21 =	simm.s32 $0x258;
	s8 =	simm.s32 $0x5780  }
0x2b: {  	[tilespmem:s8], [sflag:$0x5] =	stream.indirect.gather [hbm4b:s4+s17], $0x20, s21, s17, $0xb8;
	[tilespmem:$0x19C80] =	vst v63  }
0x2c: {  	_ = 	snop  }
0x2d: {  	[tilespmem:s24], [sflag:$0x6] =	stream.indirect.gather [hbm4b:s4+s17], $0x20, s10, s17, $0xb8;
	[tilespmem:$0x19C80] =	vst v63  }
0x2e: {  	s22 =	simm.s32 $0x3E8;
	s5 =	simm.s32 $0x8980  }
0x2f: {  	[tilespmem:s5], [sflag:$0x6] =	stream.indirect.gather [hbm4b:s4+s17], $0x20, s22, s17, $0xb8;
	[tilespmem:$0x19C80] =	vst v63  }
0x30: {  	s23 =	simm.s32 $0x4B0;
	s13 =	simm.s32 $0xA280  }
0x31: {  	[tilespmem:s13], [sflag:$0x6] =	stream.indirect.gather [hbm4b:s4+s17], $0x20, s23, s17, $0xb8;
	[tilespmem:$0x19C80] =	vst v63  }
0x32: {  	s20 =	simm.s32 $0x578;
	s21 =	simm.s32 $0xBB80  }
0x33: {  	[tilespmem:s21], [sflag:$0x6] =	stream.indirect.gather [hbm4b:s4+s17], $0x20, s20, s17, $0xb8;
	[tilespmem:$0x19C80] =	vst v63  }
0x34: {  	_ =	swait.ge [sflag:s1], $0x6400  }
0x35: {  	[sflag:s1] =	ssyncset.done $0x0  }
0x36: {  	[sflag:s1] =	ssyncadd.s32 $0xFFFF9C00  }
0x37: {  	[hbm4b:s2+s10] =	stream.indirect.scatter [tilespmem:s18], [sflag:$0x9], $0x20, s3, s10, $0xb8;
	[tilespmem:$0x19C80] =	vst v63  }
0x38: {  	_ = 	snop  }
0x39: {  	[tilespmem:s0], [sflag:$0x7] =	stream.indirect.gather [hbm4b:s4+s17], $0x20, s11, s17, $0xb8;
	[tilespmem:$0x19C80] =	vst v63  }
0x3a: {  	s22 =	simm.s32 $0x708;
	s23 =	simm.s32 $0xED80  }
0x3b: {  	[tilespmem:s23], [sflag:$0x7] =	stream.indirect.gather [hbm4b:s4+s17], $0x20, s22, s17, $0xb8;
	[tilespmem:$0x19C80] =	vst v63  }
0x3c: {  	s20 =	simm.s32 $0x7D0;
	s21 =	simm.s32 $0x10680  }
0x3d: {  	[tilespmem:s21], [sflag:$0x7] =	stream.indirect.gather [hbm4b:s4+s17], $0x20, s20, s17, $0xb8;
	[tilespmem:$0x19C80] =	vst v63  }
0x3e: {  	s8 =	simm.s32 $0x11F80;
	s22 =	simm.s32 $0x898  }
0x3f: {  	[tilespmem:s8], [sflag:$0x7] =	stream.indirect.gather [hbm4b:s4+s17], $0x20, s22, s17, $0xb8;
	[tilespmem:$0x19C80] =	vst v63  }
0x40: {  	_ =	swait.ge [sflag:s14], $0x6400  }
0x41: {  	[sflag:s14] =	ssyncset.done $0x0  }
0x42: {  	[sflag:s14] =	ssyncadd.s32 $0xFFFF9C00  }
0x43: {  	[hbm4b:s2+s10] =	stream.indirect.scatter [tilespmem:s24], [sflag:$0xA], $0x20, s10, s10, $0xb8;
	[tilespmem:$0x19C80] =	vst v63  }
0x44: {  	_ = 	snop  }
0x45: {  	[tilespmem:s15], [sflag:$0x8] =	stream.indirect.gather [hbm4b:s4+s17], $0x20, s12, s17, $0xb8;
	[tilespmem:$0x19C80] =	vst v63  }
0x46: {  	s13 =	simm.s32 $0x15180;
	s20 =	simm.s32 $0xA28  }
0x47: {  	[tilespmem:s13], [sflag:$0x8] =	stream.indirect.gather [hbm4b:s4+s17], $0x20, s20, s17, $0xb8;
	[tilespmem:$0x19C80] =	vst v63  }
0x48: {  	s21 =	simm.s32 $0x16A80;
	s22 =	simm.s32 $0xAF0  }
0x49: {  	[tilespmem:s21], [sflag:$0x8] =	stream.indirect.gather [hbm4b:s4+s17], $0x20, s22, s17, $0xb8;
	[tilespmem:$0x19C80] =	vst v63  }
0x4a: {  	s23 =	simm.s32 $0x18380;
	s21 =	simm.s32 $0xBB8  }
0x4b: {  	[tilespmem:s23], [sflag:$0x8] =	stream.indirect.gather [hbm4b:s4+s17], $0x20, s21, s17, $0xb8;
	[tilespmem:$0x19C80] =	vst v63  }
0x4c: {  	_ =	swait.ge [sflag:s25], $0x6400  }
0x4d: {  	[sflag:s25] =	ssyncset.done $0x0  }
0x4e: {  	[sflag:s25] =	ssyncadd.s32 $0xFFFF9C00  }
0x4f: {  	[hbm4b:s2+s10] =	stream.indirect.scatter [tilespmem:s0], [sflag:$0xB], $0x20, s11, s10, $0xb8;
	[tilespmem:$0x19C80] =	vst v63  }
0x50: {  	_ =	swait.ge [sflag:s26], $0x6400  }
0x51: {  	[sflag:s26] =	ssyncset.done $0x0  }
0x52: {  	[sflag:s26] =	ssyncadd.s32 $0xFFFF9C00  }
0x53: {  	[tilespmem:s18], [sflag:$0x5] =	stream.indirect.gather [hbm4b:s4+s17], $0x20, s3, s17, $0xb8;
	[tilespmem:$0x19C80] =	vst v63  }
0x54: {  	_ = 	snop  }
0x55: {  	[tilespmem:s6], [sflag:$0x5] =	stream.indirect.gather [hbm4b:s4+s17], $0x20, s17, s17, $0xb8;
	[tilespmem:$0x19C80] =	vst v63  }
0x56: {  	s9 =	simm.s32 $0x3E80  }
0x57: {  	[tilespmem:s9], [sflag:$0x5] =	stream.indirect.gather [hbm4b:s4+s17], $0x20, s7, s17, $0xb8;
	[tilespmem:$0x19C80] =	vst v63  }
0x58: {  	s16 =	simm.s32 $0x5780;
	s19 =	simm.s32 $0x258  }
0x59: {  	[tilespmem:s16], [sflag:$0x5] =	stream.indirect.gather [hbm4b:s4+s17], $0x20, s19, s17, $0xb8;
	[tilespmem:$0x19C80] =	vst v63  }
0x5a: {  	_ =	swait.ge [sflag:s28], $0x6400  }
0x5b: {  	[sflag:s28] =	ssyncset.done $0x0  }
0x5c: {  	[sflag:s28] =	ssyncadd.s32 $0xFFFF9C00  }
0x5d: {  	[hbm4b:s2+s10] =	stream.indirect.scatter [tilespmem:s15], [sflag:$0xC], $0x20, s12, s10, $0xb8;
	[tilespmem:$0x19C80] =	vst v63  }
0x5e: {  	_ =	swait.ge [sflag:s29], $0x6400  }
0x5f: {  	[sflag:s29] =	ssyncset.done $0x0  }
0x60: {  	[sflag:s29] =	ssyncadd.s32 $0xFFFF9C00  }
0x61: {  	[tilespmem:s24], [sflag:$0x6] =	stream.indirect.gather [hbm4b:s4+s17], $0x20, s10, s17, $0xb8;
	[tilespmem:$0x19C80] =	vst v63  }
0x62: {  	s23 =	simm.s32 $0x3E8  }
0x63: {  	[tilespmem:s5], [sflag:$0x6] =	stream.indirect.gather [hbm4b:s4+s17], $0x20, s23, s17, $0xb8;
	[tilespmem:$0x19C80] =	vst v63  }
0x64: {  	s16 =	simm.s32 $0x4B0;
	s23 =	simm.s32 $0xA280  }
0x65: {  	[tilespmem:s23], [sflag:$0x6] =	stream.indirect.gather [hbm4b:s4+s17], $0x20, s16, s17, $0xb8;
	[tilespmem:$0x19C80] =	vst v63  }
0x66: {  	s9 =	simm.s32 $0x578;
	s16 =	simm.s32 $0xBB80  }
0x67: {  	[tilespmem:s16], [sflag:$0x6] =	stream.indirect.gather [hbm4b:s4+s17], $0x20, s9, s17, $0xb8;
	[tilespmem:$0x19C80] =	vst v63  }
0x68: {  	_ =	swait.ge [sflag:s1], $0x6400  }
0x69: {  	[sflag:s1] =	ssyncset.done $0x0  }
0x6a: {  	[sflag:s1] =	ssyncadd.s32 $0xFFFF9C00  }
0x6b: {  	[hbm4b:s2+s10] =	stream.indirect.scatter [tilespmem:s18], [sflag:$0x9], $0x20, s3, s10, $0xb8;
	[tilespmem:$0x19C80] =	vst v63  }
0x6c: {  	_ =	swait.ge [sflag:s30], $0x6400  }
0x6d: {  	[sflag:s30] =	ssyncset.done $0x0  }
0x6e: {  	[sflag:s30] =	ssyncadd.s32 $0xFFFF9C00  }
0x6f: {  	[tilespmem:s0], [sflag:$0x7] =	stream.indirect.gather [hbm4b:s4+s17], $0x20, s11, s17, $0xb8;
	[tilespmem:$0x19C80] =	vst v63  }
0x70: {  	s9 =	simm.s32 $0x708;
	s16 =	simm.s32 $0xED80  }
0x71: {  	[tilespmem:s16], [sflag:$0x7] =	stream.indirect.gather [hbm4b:s4+s17], $0x20, s9, s17, $0xb8;
	[tilespmem:$0x19C80] =	vst v63  }
0x72: {  	s5 =	simm.s32 $0x7D0;
	s16 =	simm.s32 $0x10680  }
0x73: {  	[tilespmem:s16], [sflag:$0x7] =	stream.indirect.gather [hbm4b:s4+s17], $0x20, s5, s17, $0xb8;
	[tilespmem:$0x19C80] =	vst v63  }
0x74: {  	s16 =	simm.s32 $0x898  }
0x75: {  	[tilespmem:s8], [sflag:$0x7] =	stream.indirect.gather [hbm4b:s4+s17], $0x20, s16, s17, $0xb8;
	[tilespmem:$0x19C80] =	vst v63  }
0x76: {  	_ =	swait.ge [sflag:s14], $0x6400  }
0x77: {  	[sflag:s14] =	ssyncset.done $0x0  }
0x78: {  	[sflag:s14] =	ssyncadd.s32 $0xFFFF9C00  }
0x79: {  	[hbm4b:s2+s10] =	stream.indirect.scatter [tilespmem:s24], [sflag:$0xA], $0x20, s10, s10, $0xb8;
	[tilespmem:$0x19C80] =	vst v63  }
0x7a: {  	_ =	swait.ge [sflag:s31], $0x6400  }
0x7b: {  	[sflag:s31] =	ssyncset.done $0x0  }
0x7c: {  	[sflag:s31] =	ssyncadd.s32 $0xFFFF9C00  }
0x7d: {  	[tilespmem:s15], [sflag:$0x8] =	stream.indirect.gather [hbm4b:s4+s17], $0x20, s12, s17, $0xb8;
	[tilespmem:$0x19C80] =	vst v63  }
0x7e: {  	_ = 	snop  }
0x7f: {  	[tilespmem:s13], [sflag:$0x8] =	stream.indirect.gather [hbm4b:s4+s17], $0x20, s20, s17, $0xb8;
	[tilespmem:$0x19C80] =	vst v63  }
0x80: {  	s16 =	simm.s32 $0x16A80  }
0x81: {  	[tilespmem:s16], [sflag:$0x8] =	stream.indirect.gather [hbm4b:s4+s17], $0x20, s22, s17, $0xb8;
	[tilespmem:$0x19C80] =	vst v63  }
0x82: {  	s20 =	simm.s32 $0x18380;
	s22 =	simm.s32 $0xBB8  }
0x83: {  	[tilespmem:s20], [sflag:$0x8] =	stream.indirect.gather [hbm4b:s4+s17], $0x20, s22, s17, $0xb8;
	[tilespmem:$0x19C80] =	vst v63  }
0x84: {  	_ =	swait.ge [sflag:s25], $0x6400  }
0x85: {  	[sflag:s25] =	ssyncset.done $0x0  }
0x86: {  	[sflag:s25] =	ssyncadd.s32 $0xFFFF9C00  }
0x87: {  	[hbm4b:s2+s10] =	stream.indirect.scatter [tilespmem:s0], [sflag:$0xB], $0x20, s11, s10, $0xb8;
	[tilespmem:$0x19C80] =	vst v63  }
0x88: {  	_ =	swait.ge [sflag:s26], $0x6400  }
0x89: {  	[sflag:s26] =	ssyncset.done $0x0  }
0x8a: {  	[sflag:s26] =	ssyncadd.s32 $0xFFFF9C00  }
0x8b: {  	[tilespmem:s18], [sflag:$0x5] =	stream.indirect.gather [hbm4b:s4+s17], $0x20, s3, s17, $0xb8;
	[tilespmem:$0x19C80] =	vst v63  }
0x8c: {  	s21 =	simm.s32 $0xA280  }
0x8d: {  	[tilespmem:s6], [sflag:$0x5] =	stream.indirect.gather [hbm4b:s4+s17], $0x20, s17, s17, $0xb8;
	[tilespmem:$0x19C80] =	vst v63  }
0x8e: {  	s19 =	simm.s32 $0x8980;
	s23 =	simm.s32 $0xBB80;
	s6 =	simm.s32 $0x3E80  }
0x8f: {  	[tilespmem:s6], [sflag:$0x5] =	stream.indirect.gather [hbm4b:s4+s17], $0x20, s7, s17, $0xb8;
	[tilespmem:$0x19C80] =	vst v63  }
0x90: {  	s9 =	simm.s32 $0x10680;
	s8 =	simm.s32 $0x258;
	s13 =	simm.s32 $0x5780  }
0x91: {  	[tilespmem:s13], [sflag:$0x5] =	stream.indirect.gather [hbm4b:s4+s17], $0x20, s8, s17, $0xb8;
	[tilespmem:$0x19C80] =	vst v63  }
0x92: {  	s5 =	simm.s32 $0x1D;
	s16 =	simm.s32 $0x2580;
	_ =	swait.ge [sflag:s28], $0x6400  }
0x93: {  	s20 =	simm.s32 $0x190;
	s22 =	simm.s32 $0x3E80;
	[sflag:s28] =	ssyncset.done $0x0  }
0x94: {  	s6 =	simm.s32 $0x258;
	s7 =	simm.s32 $0x5780;
	[sflag:s28] =	ssyncadd.s32 $0xFFFF9C00  }
.LBB2_2:
0x95: {  	[hbm4b:s2+s10] =	stream.indirect.scatter [tilespmem:s15], [sflag:$0xC], $0x20, s12, s10, $0xb8;
	[tilespmem:$0x19C80] =	vst v63  }
0x96: {  	p0 =	sne.s32 s5, $0x1;
	s5 =	sadd.s32 $0xFFFFFFFF, s5;
	_ =	swait.ge [sflag:s29], $0x6400  }
0x97: {  	[sflag:s29] =	ssyncset.done $0x0  }
0x98: {  	[sflag:s29] =	ssyncadd.s32 $0xFFFF9C00  }
0x99: {  	[tilespmem:s24], [sflag:$0x6] =	stream.indirect.gather [hbm4b:s4+s17], $0x20, s10, s17, $0xb8;
	[tilespmem:$0x19C80] =	vst v63  }
0x9a: {  	s8 =	simm.s32 $0x3E8  }
0x9b: {  	[tilespmem:s19], [sflag:$0x6] =	stream.indirect.gather [hbm4b:s4+s17], $0x20, s8, s17, $0xb8;
	[tilespmem:$0x19C80] =	vst v63  }
0x9c: {  	s8 =	simm.s32 $0x4B0  }
0x9d: {  	[tilespmem:s21], [sflag:$0x6] =	stream.indirect.gather [hbm4b:s4+s17], $0x20, s8, s17, $0xb8;
	[tilespmem:$0x19C80] =	vst v63  }
0x9e: {  	s8 =	simm.s32 $0x578  }
0x9f: {  	[tilespmem:s23], [sflag:$0x6] =	stream.indirect.gather [hbm4b:s4+s17], $0x20, s8, s17, $0xb8;
	[tilespmem:$0x19C80] =	vst v63  }
0xa0: {  	_ =	swait.ge [sflag:s1], $0x6400  }
0xa1: {  	[sflag:s1] =	ssyncset.done $0x0  }
0xa2: {  	[sflag:s1] =	ssyncadd.s32 $0xFFFF9C00  }
0xa3: {  	[hbm4b:s2+s10] =	stream.indirect.scatter [tilespmem:s18], [sflag:$0x9], $0x20, s3, s10, $0xb8;
	[tilespmem:$0x19C80] =	vst v63  }
0xa4: {  	_ =	swait.ge [sflag:s30], $0x6400  }
0xa5: {  	[sflag:s30] =	ssyncset.done $0x0  }
0xa6: {  	[sflag:s30] =	ssyncadd.s32 $0xFFFF9C00  }
0xa7: {  	[tilespmem:s0], [sflag:$0x7] =	stream.indirect.gather [hbm4b:s4+s17], $0x20, s11, s17, $0xb8;
	[tilespmem:$0x19C80] =	vst v63  }
0xa8: {  	s13 =	simm.s32 $0xED80;
	s8 =	simm.s32 $0x708  }
0xa9: {  	[tilespmem:s13], [sflag:$0x7] =	stream.indirect.gather [hbm4b:s4+s17], $0x20, s8, s17, $0xb8;
	[tilespmem:$0x19C80] =	vst v63  }
0xaa: {  	s8 =	simm.s32 $0x7D0  }
0xab: {  	[tilespmem:s9], [sflag:$0x7] =	stream.indirect.gather [hbm4b:s4+s17], $0x20, s8, s17, $0xb8;
	[tilespmem:$0x19C80] =	vst v63  }
0xac: {  	s13 =	simm.s32 $0x11F80;
	s8 =	simm.s32 $0x898  }
0xad: {  	[tilespmem:s13], [sflag:$0x7] =	stream.indirect.gather [hbm4b:s4+s17], $0x20, s8, s17, $0xb8;
	[tilespmem:$0x19C80] =	vst v63  }
0xae: {  	_ =	swait.ge [sflag:s14], $0x6400  }
0xaf: {  	[sflag:s14] =	ssyncset.done $0x0  }
0xb0: {  	[sflag:s14] =	ssyncadd.s32 $0xFFFF9C00  }
0xb1: {  	[hbm4b:s2+s10] =	stream.indirect.scatter [tilespmem:s24], [sflag:$0xA], $0x20, s10, s10, $0xb8;
	[tilespmem:$0x19C80] =	vst v63  }
0xb2: {  	_ =	swait.ge [sflag:s31], $0x6400  }
0xb3: {  	[sflag:s31] =	ssyncset.done $0x0  }
0xb4: {  	[sflag:s31] =	ssyncadd.s32 $0xFFFF9C00  }
0xb5: {  	[tilespmem:s15], [sflag:$0x8] =	stream.indirect.gather [hbm4b:s4+s17], $0x20, s12, s17, $0xb8;
	[tilespmem:$0x19C80] =	vst v63  }
0xb6: {  	s8 =	simm.s32 $0xA28;
	s13 =	simm.s32 $0x15180  }
0xb7: {  	[tilespmem:s13], [sflag:$0x8] =	stream.indirect.gather [hbm4b:s4+s17], $0x20, s8, s17, $0xb8;
	[tilespmem:$0x19C80] =	vst v63  }
0xb8: {  	s8 =	simm.s32 $0xAF0;
	s13 =	simm.s32 $0x16A80  }
0xb9: {  	[tilespmem:s13], [sflag:$0x8] =	stream.indirect.gather [hbm4b:s4+s17], $0x20, s8, s17, $0xb8;
	[tilespmem:$0x19C80] =	vst v63  }
0xba: {  	s8 =	simm.s32 $0xBB8;
	s13 =	simm.s32 $0x18380  }
0xbb: {  	[tilespmem:s13], [sflag:$0x8] =	stream.indirect.gather [hbm4b:s4+s17], $0x20, s8, s17, $0xb8;
	[tilespmem:$0x19C80] =	vst v63  }
0xbc: {  	_ =	swait.ge [sflag:s25], $0x6400  }
0xbd: {  	[sflag:s25] =	ssyncset.done $0x0  }
0xbe: {  	[sflag:s25] =	ssyncadd.s32 $0xFFFF9C00  }
0xbf: {  	[hbm4b:s2+s10] =	stream.indirect.scatter [tilespmem:s0], [sflag:$0xB], $0x20, s11, s10, $0xb8;
	[tilespmem:$0x19C80] =	vst v63  }
0xc0: {  	_ =	swait.ge [sflag:s26], $0x6400  }
0xc1: {  	[sflag:s26] =	ssyncset.done $0x0  }
0xc2: {  	[sflag:s26] =	ssyncadd.s32 $0xFFFF9C00  }
0xc3: {  	[tilespmem:s18], [sflag:$0x5] =	stream.indirect.gather [hbm4b:s4+s17], $0x20, s3, s17, $0xb8;
	[tilespmem:$0x19C80] =	vst v63  }
0xc4: {  	_ = 	snop  }
0xc5: {  	[tilespmem:s16], [sflag:$0x5] =	stream.indirect.gather [hbm4b:s4+s17], $0x20, s17, s17, $0xb8;
	[tilespmem:$0x19C80] =	vst v63  }
0xc6: {  	_ = 	snop  }
0xc7: {  	[tilespmem:s22], [sflag:$0x5] =	stream.indirect.gather [hbm4b:s4+s17], $0x20, s20, s17, $0xb8;
	[tilespmem:$0x19C80] =	vst v63  }
.Ltmp0:
0xc8: {  	(pc) =	sbr.rel @p0 .LBB2_2-.Ltmp0, $4  }
0xc9: {  	[tilespmem:s7], [sflag:$0x5] =	stream.indirect.gather [hbm4b:s4+s17], $0x20, s6, s17, $0xb8;
	[tilespmem:$0x19C80] =	vst v63  }
0xca: {  	_ =	swait.ge [sflag:s28], $0x6400  }
0xcb: {  	[sflag:s28] =	ssyncset.done $0x0  }
0xcc: {  	[sflag:s28] =	ssyncadd.s32 $0xFFFF9C00  }
0xcd: {  	[hbm4b:s2+s10] =	stream.indirect.scatter [tilespmem:s15], [sflag:$0xC], $0x20, s12, s10, $0xb8;
	[tilespmem:$0x19C80] =	vst v63  }
0xce: {  	_ =	swait.ge [sflag:s29], $0x6400  }
0xcf: {  	[sflag:s29] =	ssyncset.done $0x0  }
0xd0: {  	[sflag:s29] =	ssyncadd.s32 $0xFFFF9C00  }
0xd1: {  	[tilespmem:s24], [sflag:$0x6] =	stream.indirect.gather [hbm4b:s4+s17], $0x20, s10, s17, $0xb8;
	[tilespmem:$0x19C80] =	vst v63  }
0xd2: {  	s5 =	simm.s32 $0x3E8  }
0xd3: {  	[tilespmem:s19], [sflag:$0x6] =	stream.indirect.gather [hbm4b:s4+s17], $0x20, s5, s17, $0xb8;
	[tilespmem:$0x19C80] =	vst v63  }
0xd4: {  	s20 =	simm.s32 $0x4B0  }
0xd5: {  	[tilespmem:s21], [sflag:$0x6] =	stream.indirect.gather [hbm4b:s4+s17], $0x20, s20, s17, $0xb8;
	[tilespmem:$0x19C80] =	vst v63  }
0xd6: {  	s22 =	simm.s32 $0x578  }
0xd7: {  	[tilespmem:s23], [sflag:$0x6] =	stream.indirect.gather [hbm4b:s4+s17], $0x20, s22, s17, $0xb8;
	[tilespmem:$0x19C80] =	vst v63  }
0xd8: {  	_ =	swait.ge [sflag:s1], $0x6400  }
0xd9: {  	[sflag:s1] =	ssyncset.done $0x0  }
0xda: {  	[sflag:s1] =	ssyncadd.s32 $0xFFFF9C00  }
0xdb: {  	[hbm4b:s2+s10] =	stream.indirect.scatter [tilespmem:s18], [sflag:$0x9], $0x20, s3, s10, $0xb8;
	[tilespmem:$0x19C80] =	vst v63  }
0xdc: {  	_ =	swait.ge [sflag:s30], $0x6400  }
0xdd: {  	[sflag:s30] =	ssyncset.done $0x0  }
0xde: {  	[sflag:s30] =	ssyncadd.s32 $0xFFFF9C00  }
0xdf: {  	[tilespmem:s0], [sflag:$0x7] =	stream.indirect.gather [hbm4b:s4+s17], $0x20, s11, s17, $0xb8;
	[tilespmem:$0x19C80] =	vst v63  }
0xe0: {  	s6 =	simm.s32 $0xED80;
	s23 =	simm.s32 $0x708  }
0xe1: {  	[tilespmem:s6], [sflag:$0x7] =	stream.indirect.gather [hbm4b:s4+s17], $0x20, s23, s17, $0xb8;
	[tilespmem:$0x19C80] =	vst v63  }
0xe2: {  	s6 =	simm.s32 $0x7D0  }
0xe3: {  	[tilespmem:s9], [sflag:$0x7] =	stream.indirect.gather [hbm4b:s4+s17], $0x20, s6, s17, $0xb8;
	[tilespmem:$0x19C80] =	vst v63  }
0xe4: {  	s7 =	simm.s32 $0x898;
	s8 =	simm.s32 $0x11F80  }
0xe5: {  	[tilespmem:s8], [sflag:$0x7] =	stream.indirect.gather [hbm4b:s4+s17], $0x20, s7, s17, $0xb8;
	[tilespmem:$0x19C80] =	vst v63  }
0xe6: {  	_ =	swait.ge [sflag:s14], $0x6400  }
0xe7: {  	[sflag:s14] =	ssyncset.done $0x0  }
0xe8: {  	[sflag:s14] =	ssyncadd.s32 $0xFFFF9C00  }
0xe9: {  	[hbm4b:s2+s10] =	stream.indirect.scatter [tilespmem:s24], [sflag:$0xA], $0x20, s10, s10, $0xb8;
	[tilespmem:$0x19C80] =	vst v63  }
0xea: {  	_ =	swait.ge [sflag:s31], $0x6400  }
0xeb: {  	[sflag:s31] =	ssyncset.done $0x0  }
0xec: {  	[sflag:s31] =	ssyncadd.s32 $0xFFFF9C00  }
0xed: {  	[tilespmem:s15], [sflag:$0x8] =	stream.indirect.gather [hbm4b:s4+s17], $0x20, s12, s17, $0xb8;
	[tilespmem:$0x19C80] =	vst v63  }
0xee: {  	s13 =	simm.s32 $0x15180;
	s9 =	simm.s32 $0xA28  }
0xef: {  	[tilespmem:s13], [sflag:$0x8] =	stream.indirect.gather [hbm4b:s4+s17], $0x20, s9, s17, $0xb8;
	[tilespmem:$0x19C80] =	vst v63  }
0xf0: {  	s16 =	simm.s32 $0xAF0;
	s19 =	simm.s32 $0x16A80  }
0xf1: {  	[tilespmem:s19], [sflag:$0x8] =	stream.indirect.gather [hbm4b:s4+s17], $0x20, s16, s17, $0xb8;
	[tilespmem:$0x19C80] =	vst v63  }
0xf2: {  	s20 =	simm.s32 $0xBB8;
	s21 =	simm.s32 $0x18380  }
0xf3: {  	[tilespmem:s21], [sflag:$0x8] =	stream.indirect.gather [hbm4b:s4+s17], $0x20, s20, s17, $0xb8;
	[tilespmem:$0x19C80] =	vst v63  }
0xf4: {  	_ =	swait.ge [sflag:s25], $0x6400  }
0xf5: {  	[sflag:s25] =	ssyncset.done $0x0  }
0xf6: {  	[sflag:s25] =	ssyncadd.s32 $0xFFFF9C00  }
0xf7: {  	[hbm4b:s2+s10] =	stream.indirect.scatter [tilespmem:s0], [sflag:$0xB], $0x20, s11, s10, $0xb8;
	[tilespmem:$0x19C80] =	vst v63  }
0xf8: {  	_ =	swait.ge [sflag:s26], $0x6400  }
0xf9: {  	[sflag:s26] =	ssyncset.done $0x0  }
0xfa: {  	[sflag:s26] =	ssyncadd.s32 $0xFFFF9C00  }
0xfb: {  	_ =	swait.ge [sflag:s28], $0x6400  }
0xfc: {  	[sflag:s28] =	ssyncset.done $0x0  }
0xfd: {  	[sflag:s28] =	ssyncadd.s32 $0xFFFF9C00  }
0xfe: {  	[hbm4b:s2+s10] =	stream.indirect.scatter [tilespmem:s15], [sflag:$0xC], $0x20, s12, s10, $0xb8;
	[tilespmem:$0x19C80] =	vst v63  }
0xff: {  	_ =	swait.ge [sflag:s29], $0x6400  }
0x100: {  	[sflag:s29] =	ssyncset.done $0x0  }
0x101: {  	[sflag:s29] =	ssyncadd.s32 $0xFFFF9C00  }
0x102: {  	_ =	swait.ge [sflag:s30], $0x6400  }
0x103: {  	[sflag:s30] =	ssyncset.done $0x0  }
0x104: {  	[sflag:s30] =	ssyncadd.s32 $0xFFFF9C00  }
0x105: {  	_ =	swait.ge [sflag:s31], $0x6400  }
0x106: {  	s22 =	rddreg [dreg:$0x8]  }
0x107: {  	s23 =	rddreg [dreg:$0x7];
	s6 =	sadd.s32 $0x1, s22  }
0x108: {  	p0 =	sne.s32 s6, s23  }
.Ltmp1:
0x109: {  	_ = 	snop;
	(pc) =	sbr.rel @p0 .LBB2_1-.Ltmp1, $3  }
0x10a: {  	_ =	sdelay $0x1  }
0x10b: {  	[sflag:s31] =	ssyncset.done $0x0  }
0x10c: {  	[sflag:s31] =	ssyncadd.s32 $0xFFFF9C00  }
0x10d: {  	_ =	sfence.sel $0x180000  }
0x10e: {  	[bflag:$0x0] =	sbarrier.arrive $0xFFFF  }
0x10f: {  	_ =	strace $0x90000047  }
0x110: {  	s0 =	stileid.u32;
	[bflag:$0x2] =	sbarrier.arrive $0xFFFF  }
0x111: {  	p0 =	sne.s32 s0, $0x0;
	s0 =	rddreg [dreg:$0x2]  }
0x112: {  	s0 =	sadd.s32 @!p0 $0x100000, s0  }
0x113: {  	[sflag:s0] =	ssyncadd.tile.s32 @!p0 $0x1;
	_ =	shalt  }
.Lfunc_end2:
_tile_overlayer_lowered:
.L_overlay_start_2:
0x114: {  	(tag) =	ssettag $0x2  }
0x115: {  	s0 =	rddreg [dreg:$0x0];
	s2 =	stileid.u32  }
0x116: {  	s1 =	rddreg [dreg:$0x1];
	p0 =	sne.s32 s2, $0x0  }
0x117: {  	s3 =	rddreg [dreg:$0x2];
	[bflag:$0x3] =	sbarrier.arrive $0xFFFF;
	s2 =	simm.s32 @!p0 $0x1C0D  }
0x118: {  	[timem:s3], [sflag:s2] =	dma.local @!p0 [hbm:s0], s1  }
0x119: {  	s0 =	simm.s32 @!p0 $0xD  }
0x11a: {  	_ =	swait.ge @!p0 [sflag:s0], s1  }
0x11b: {  	s1 =	ssub.s32 @!p0 $0x0, s1;
	[sflag:s0] =	ssyncset.done @!p0 $0x0  }
0x11c: {  	[sflag:s0] =	ssyncadd.s32 @!p0 s1  }
0x11d: {  	[bflag:$0x3] =	sbarrier.arrive $0xFFFF  }
0x11e: {  	_ =	shalt  }

// kernel: sparse-core-data-format-call.cloned.1.call-start
scs
called_computation_lowered:
.L_overlay_start_0:
0x0: {  	s2 =	sld [smem:$0x3FD9]  }
0x1: {  	s3 =	sld [smem:$0x3FFE];
	_ =	sdelay $0x1  }
0x2: {  	s1 =	srdreg.scid  }
0x3: {  	s0 =	sand.u32 $0x1, s1  }
0x4: {  	s18 =	sshll.u32 s0, $0xA;
	s2 =	sadd.s32 s3, s2  }
0x5: {  	s2 =	sadd.s32 s2, s18  }
0x6: {  	[smem:$0x3FC6] =	sst s2  }
0x7: {  	_ = 	snop  }
0x8: {  	s2 =	sld [smem:$0x3FD0];
	(tm) =	ssettm $0x1  }
0x9: {  	s19 =	sld [smem:$0x3FFB];
	_ =	sdelay $0x3  }
0xa: {  	_ =	strace s19  }
0xb: {  	s3 =	sld [smem:$0x3FFC];
	_ =	sdelay $0x3  }
0xc: {  	_ =	strace s3  }
0xd: {  	s3 =	sld [smem:$0x3FFD];
	_ =	sdelay $0x3  }
0xe: {  	_ =	strace s3  }
0xf: {  	_ =	strace $0x8FFFFFFF  }
0x10: {  	s20 =	sld [smem:$0x3FDB];
	_ =	sdelay $0x1  }
0x11: {  	s4 =	simm.s32 $_scs_section_size  }
0x12: {  	s5 =	simm.s32 $_size__tile_overlayer_lowered;
	s6 =	simm.s32 $_tile_overlayer_lowered  }
0x13: {  	s23 =	simm.s32 $0x1BFF;
	s22 =	sshll.u32 s6, $0x1;
	s3 =	sadd.s32 s4, s20  }
0x14: {  	s7 =	simm.s32 $0x0;
	s21 =	sshll.u32 s5, $0x1;
	s5 =	sadd.s32 s22, s3  }
0x15: {  	[timem:s7], [sflag:s23] =	dma.local [hbm:s5], s21  }
0x16: {  	_ =	swait.ge [sflag:s23], s21  }
0x17: {  	s4 =	ssub.s32 $0x0, s21;
	[sflag:s23] =	ssyncset.done $0x0  }
0x18: {  	[sflag:s23] =	ssyncadd.s32 s4;
	_ =	sdelay $0x1  }
0x19: {  	s24 =	simm.s32 $0x1B8B  }
0x1a: {  	_ =	swait.ge [sflag:s24], $0x1  }
0x1b: {  	[sflag:s24] =	ssyncset.done $0x0  }
0x1c: {  	s26 =	simm.s32 $0x1B8E;
	s25 =	sld [smem:$0x3FFE];
	[sflag:s24] =	ssyncadd.s32 $0xFFFFFFFF  }
0x1d: {  	s27 =	simm.s32 $execute0_lowered;
	[smem:$0x3FD2] =	sst s26  }
0x1e: {  	s5 =	sshll.u32 s27, $0x1;
	_ =	strace $0x80000049;
	[dreg:$0x1] =	wrdreg $0xFFFFFFFF  }
0x1f: {  	s28 =	simm.s32 $_size_execute0_lowered;
	s3 =	sadd.s32 s3, s5;
	[dreg:$0x0] =	wrdreg $0x0  }
0x20: {  	s5 =	sshll.u32 s28, $0x1;
	[dreg:$0x2] =	wrdreg s3  }
0x21: {  	[dreg:$0x3] =	wrdreg s5  }
0x22: {  	[dreg:$0x4] =	wrdreg $0xC0  }
0x23: {  	_ =	task [dreg:s7], $0x5FFFF  }
0x24: {  	[dreg:$0x1] =	wrdreg $0xFFFFFFFF  }
0x25: {  	[dreg:$0x0] =	wrdreg $0x60  }
0x26: {  	[dreg:$0x2] =	wrdreg s25  }
0x27: {  	[dreg:$0x3] =	wrdreg s2  }
0x28: {  	[dreg:$0x4] =	wrdreg $0x9  }
0x29: {  	_ =	task.clear_ibuf [dreg:s7], $0x5FFFF;
	_ =	strace $0x90000049  }
0x2a: {  	s29 =	simm.s32 $0x9;
	_ =	strace $0x8000004B  }
0x2b: {  	_ =	swait.ge [sflag:s29], $0x1  }
0x2c: {  	[sflag:s29] =	ssyncadd.s32 $0xFFFFFFFF  }
0x2d: {  	_ =	strace $0x9000004B  }
0x2e: {  	_ =	sfence  }
0x2f: {  	s30 =	sld [smem:$0x0];
	_ =	sdelay $0x2  }
0x30: {  	s31 =	sshll.u32 s1, $0xD;
	s1 =	sshrl.u32 s1, $0x2  }
0x31: {  	s3 =	sand.u32 $0x4000, s31;
	s1 =	sadd.s32 s1, s30  }
0x32: {  	s0 =	sor.u32 s3, s0;
	s1 =	sshll.u32 s1, $0x11  }
0x33: {  	s0 =	sor.u32 s1, s0  }
0x34: {  	s0 =	sadd.s32 $0x8F2B, s0  }
0x35: {  	[sflag:s0] =	ssyncadd.remote.s32 $0x1  }
0x36: {  	_ =	sfence.sel $0xFFFF  }
0x37: {  	[dreg:$0x0] =	wrdreg $0xFFFFFFFF;
	(pc) =	sbr.abs _section_cstart, $3  }
0x38: {  	[dreg:$0x1] =	wrdreg $0xFFFFFFFF  }
0x39: {  	_ =	task.clear_ibuf [dreg:s7], $0x2FFFF;
	_ =	strace $0x9FFFFFFF  }
0x3a: {  	(tm) =	ssettm $0x7FFFFFFF  }
0x3b: {  	_ =	shalt  }
tec
execute0_lowered:
.L_overlay_start_1:
0x0: {  	(tag) =	ssettag $0x1  }
0x1: {  	s0 =	srdreg.scid  }
0x2: {  	s1 =	sshll.u32 s0, $0x4  }
0x3: {  	s0 =	stileid.u32;
	s1 =	sand.u32 $0x10, s1  }
0x4: {  	s1 =	sor.u32 s0, s1  }
0x5: {  	s6 =	rddreg [dreg:$0x0];
	s4 =	simm.s32 $0x1;
	s2 =	sshll.u32 s1, $0x7  }
0x6: {  	s7 =	simm.s32 $0x2;
	s12 =	simm.s32 $0x0;
	s1 =	ssub.s32 $0x4000, s2  }
0x7: {  	s8 =	simm.s32 $0x20000;
	s13 =	simm.s32 $0x0;
	s3 =	sand.u32 $0xF80, s1  }
0x8: {  	s9 =	simm.s32 $0x0;
	s5 =	sshrl.u32 s1, $0xC;
	p0 =	sne.s32 s3, $0x0  }
.Ltmp0:
0x9: {  	s1 =	rddreg [dreg:$0x2];
	s4 =	simm.s32 @!p0 $0x0;
	(pc) =	sbr.rel .LBB1_1-.Ltmp0, $4  }
0xa: {  	s11 =	simm.s32 $0x0;
	s3 =	rddreg [dreg:$0x1];
	s5 =	sadd.s32 s4, s5  }
0xb: {  	_ =	strace $0x8000004A;
	s4 =	simm.s32 $0x1;
	s5 =	smul.u32 $0xC8, s5  }
0xc: {  	s6 =	sadd.s32 $0x800, s6;
	s10 =	smov.u32 s2;
	[sflag:s4] =	ssyncpa.u1 $0x0  }
0xd: {  	p0 =	por $0x0, $0x0;
	[sflag:s7] =	ssyncpa.u1 $0x0;
	s7 =	sor.u32 $0x1, s5  }
.LBB1_4:
0xe: {  	s16 =	sshll.u32 s13, $0x3;
	s17 =	sand.u32 $0x78, s13  }
0xf: {  	s30 =	sand.u32 $0xF800, s13;
	s12 =	sshll.u32 s12, $0x10;
	s16 =	sand.u32 $0x3C00, s16  }
0x10: {  	s31 =	sand.u32 $0x7, s13;
	s16 =	sor.u32 s17, s16;
	s17 =	sadd.s32 s3, s30  }
0x11: {  	s13 =	sshll.u32 s31, $0x12;
	s16 =	sshrl.u32 s16, $0x3;
	s12 =	sadd.s32 s12, s17  }
0x12: {  	[tilespmem:s15+$0x0 ss:$0x81] =	vst.msk $0xffff, v0;
	s13 =	sor.u32 $0x400, s13;
	s12 =	sadd.s32 s16, s12  }
0x13: {  	[hbm4b:s12+s13] =	stream.strided.scatter [tilespmem:s14], [sflag:$0x2], $0x1000, s8, s13, $0x20;
	[tilespmem:$0x4040] =	vst v63  }
.LBB1_5:
0x14: {  	s14 =	sadd.s32 $0x1, s9  }
0x15: {  	s12 =	sadd.s32 $0x1000, s10;
	s16 =	smov.u32 s10;
	p2 =	sgt.s32 s14, $0xC7  }
0x16: {  	s16 =	smov.u32 @p2 s12  }
0x17: {  	s14 =	simm.s32 @p2 $0x0;
	p2 =	sgt.s32 s16, $0x3FFF  }
0x18: {  	s16 =	smov.u32 @p2 s2;
	p2 =	sne.s32 s11, s7  }
.Ltmp1:
0x19: {  	p1 =	slt.u32 s11, $0x2;
	(pc) =	sbr.rel @!p2 .LBB1_6-.Ltmp1, $4  }
0x1a: {  	s15 =	simm.s32 @!p1 $0x2  }
0x1b: {  	s13 =	smov.u32 s10;
	p0 =	por !p0, !p0;
	_ =	swait.ge @!p1 [sflag:s15], $0x1000  }
0x1c: {  	s12 =	smov.u32 s9;
	[sflag:s15] =	ssyncset.done @!p1 $0x0;
	s9 =	smov.u32 s14  }
0x1d: {  	s11 =	sadd.s32 $0x1, s11;
	[sflag:s15] =	ssyncadd.s32 @!p1 $0xFFFFF000;
	s10 =	smov.u32 s16  }
.LBB1_1:
0x1e: {  	p1 =	sge.u32 s11, s5  }
0x1f: {  	s14 =	sand.u32 @!p1 $0x1FFFFFF, s9  }
0x20: {  	s15 =	smulhi.u32 @!p1 $0x147AE15, s14;
	_ =	sdelay $0x1  }
0x21: {  	s15 =	smul.u32 @!p1 $0xC8, s15  }
0x22: {  	s16 =	sxor.u32 @!p1 $0xFFFFFFFF, s11;
	s17 =	smul.u32 @!p1 $0xC80, s10  }
0x23: {  	s31 =	sadd.s32 $0xFFFFFFFF, s11;
	s16 =	sshll.u32 @!p1 s16, $0xC;
	s14 =	ssub.s32 @!p1 s14, s15  }
0x24: {  	s15 =	sand.u32 @!p1 $0x1000, s16;
	s16 =	sadd.s32 @!p1 s6, s17;
	s14 =	sshll.u32 @!p1 s14, $0x4  }
0x25: {  	s17 =	simm.s32 @!p1 $0x6400;
	s14 =	sadd.s32 @!p1 s14, s16;
	s16 =	simm.s32 @!p1 $0x20  }
0x26: {  	[tilespmem:s15], [sflag:$0x1] =	stream.strided.gather @!p1 [hbm4b:s14+s16], $0x1000, s17, s16, $0x38;
	[tilespmem:$0x4040] =	vst v63  }
0x27: {  	p1 =	sge.u32 s31, s5  }
.Ltmp2:
0x28: {  	_ = 	snop;
	(pc) =	sbr.rel @p1 .LBB1_5-.Ltmp2, $1  }
0x29: {  	_ =	sdelay $0x3  }
0x2a: {  	s14 =	simm.s32 $0x1  }
0x2b: {  	_ =	swait.ge [sflag:s4], $0x1000;
	s14 =	simm.s32 @!p0 $0x0  }
0x2c: {  	[sflag:s4] =	ssyncset.done $0x0;
	s15 =	sshll.u32 s14, $0xC  }
0x2d: {  	[sflag:s4] =	ssyncadd.s32 $0xFFFFF000;
	s18 =	sor.u32 $0x10, s15  }
0x2e: {  	s14 =	smul.u32 $0x4080, s14;
	v1 =	vld [tilespmem:s18+$0x0]  }
0x2f: {  	s30 =	sand.u32 $0x1, s11;
	v0 =	vld [tilespmem:s18+$0xFFFFFFF0]  }
0x30: {  	s15 =	smul.u32 $0x4080, s30;
	s14 =	sshrl.u32 s14, $0x2  }
0x31: {  	s16 =	sor.u32 $0x2000, s14  }
0x32: {  	s31 =	sshrl.u32 s15, $0x2;
	s15 =	sadd.s32 $0x0, s16  }
0x33: {  	s17 =	simm.s32 $0x4;
	s18 =	sadd.s32 $0x20, s18;
	s14 =	sor.u32 $0x2000, s31;
	[tilespmem:s15+$0x810 ss:$0x81] =	vst.msk $0xffff, v1  }
.LBB1_3:
0x34: {  	v1 =	vld [tilespmem:s18+$0x0];
	p1 =	sne.s32 s17, $0x1FC;
	[tilespmem:s15+$0x0 ss:$0x81] =	vst.msk $0xffff, v0;
	s15 =	smov.u32 s17;
	s17 =	sadd.s32 $0x4, s17  }
.Ltmp3:
0x35: {  	v0 =	vld [tilespmem:s18+$0xFFFFFFF0];
	(pc) =	sbr.rel @p1 .LBB1_3-.Ltmp3, $4  }
0x36: {  	_ = 	snop  }
0x37: {  	s15 =	sshra.s32 s15, $0x2  }
0x38: {  	s15 =	sadd.s32 s15, s16  }
0x39: {  	s18 =	sadd.s32 $0x20, s18;
	[tilespmem:s15+$0x810 ss:$0x81] =	vst.msk $0xffff, v1  }
.Ltmp4:
0x3a: {  	_ = 	snop;
	(pc) =	sbr.rel .LBB1_4-.Ltmp4, $1  }
0x3b: {  	_ =	sdelay $0x3  }
.LBB1_6:
0x3c: {  	_ =	sfence.sel $0x180000  }
0x3d: {  	s2 =	simm.s32 $0x1;
	[bflag:$0x0] =	sbarrier.arrive $0xFFFF  }
0x3e: {  	s31 =	simm.s32 $0x2;
	[sflag:s2] =	ssyncpa.u1 $0x1  }
0x3f: {  	[sflag:s31] =	ssyncpa.u1 $0x1  }
0x40: {  	p0 =	sne.s32 s0, $0x0;
	_ =	strace $0x9000004A  }
0x41: {  	s0 =	sadd.s32 @!p0 $0x100000, s1;
	[bflag:$0x2] =	sbarrier.arrive $0xFFFF  }
0x42: {  	[sflag:s0] =	ssyncadd.tile.s32 @!p0 $0x1;
	_ =	shalt  }
.Lfunc_end1:
_tile_overlayer_lowered:
.L_overlay_start_2:
0x43: {  	(tag) =	ssettag $0x2  }
0x44: {  	s0 =	rddreg [dreg:$0x0];
	s2 =	stileid.u32  }
0x45: {  	s1 =	rddreg [dreg:$0x1];
	p0 =	sne.s32 s2, $0x0  }
0x46: {  	s3 =	rddreg [dreg:$0x2];
	[bflag:$0x3] =	sbarrier.arrive $0xFFFF;
	s2 =	simm.s32 @!p0 $0x1C01  }
0x47: {  	[timem:s3], [sflag:s2] =	dma.local @!p0 [hbm:s0], s1  }
0x48: {  	s0 =	simm.s32 @!p0 $0x1  }
0x49: {  	_ =	swait.ge @!p0 [sflag:s0], s1  }
0x4a: {  	s1 =	ssub.s32 @!p0 $0x0, s1;
	[sflag:s0] =	ssyncset.done @!p0 $0x0  }
0x4b: {  	[sflag:s0] =	ssyncadd.s32 @!p0 s1  }
0x4c: {  	[bflag:$0x3] =	sbarrier.arrive $0xFFFF  }
0x4d: {  	_ =	shalt  }

</sc_bundles>
